<compile_context>
chip_gen: v7x
topology: tpu7x:2x2x1
jax: 0.10.2.dev20260603
libtpu: 0.0.44.dev20260713+nightly
codegen_flags: <defaults>
</compile_context>

<pallas_src>
import functools

import jax
import jax.numpy as jnp
from jax import lax
from jax.experimental import pallas as pl
from jax.experimental.pallas import tpu as pltpu
from jax.experimental.pallas import tpu_sc as plsc

NUM_GRAPHS = 8
EPS = 1e-5
F = 128
FE = 144
RT = 256
EB = 128
CH = 2


def _make_sc_segment_sum(P, S, NC, NS):
    NW = NC * NS
    rows_per = P // NS
    assert S % CH == 0 and rows_per % EB == 0
    mesh = plsc.VectorSubcoreMesh(core_axis_name="c", subcore_axis_name="s")

    @functools.partial(
        pl.kernel,
        mesh=mesh,
        compiler_params=pltpu.CompilerParams(use_tc_tiling_on_sc=False),
        out_type=jax.ShapeDtypeStruct((NC * P, FE), jnp.float32),
        scratch_types=[
            pltpu.VMEM((2, CH, 2, EB), jnp.int32),
            pltpu.VMEM((2 * EB, FE), jnp.float32),
            pltpu.VMEM_SHARED((P, FE), jnp.float32),
            pltpu.SemaphoreType.DMA,
            pltpu.SemaphoreType.DMA,
        ],
    )
    def sc_seg_sum(h_hbm, idx_hbm, zf_hbm, out_sum, ijc, bufs, acc, gsem, ssem):
        c = lax.axis_index("c")
        s = lax.axis_index("s")
        wid = c * NS + s
        r0 = s * rows_per
        pltpu.sync_copy(zf_hbm.at[pl.ds(0, 2 * EB)], bufs)
        for r in range(rows_per // (2 * EB)):
            pltpu.sync_copy(bufs, acc.at[pl.ds(r0 + r * 2 * EB, 2 * EB)])
        if rows_per % (2 * EB):
            pltpu.sync_copy(bufs.at[pl.ds(0, EB)],
                            acc.at[pl.ds(r0 + rows_per - EB, EB)])
        plsc.subcore_barrier()

        bufA = bufs.at[pl.ds(0, EB)]
        bufB = bufs.at[pl.ds(EB, EB)]

        def body(k, carry):
            pltpu.sync_copy(idx_hbm.at[wid, pl.ds(2 * k, 2)], ijc.at[0])
            g0 = pltpu.async_copy(h_hbm.at[ijc.at[0, 0, 0]], bufA, gsem)
            g1 = pltpu.async_copy(h_hbm.at[ijc.at[0, 1, 0]], bufB, gsem)
            g0.wait()
            pltpu.sync_copy(bufA, acc.at[ijc.at[0, 0, 1]], add=True)
            g1.wait()
            pltpu.sync_copy(bufB, acc.at[ijc.at[0, 1, 1]], add=True)
            return carry

        lax.fori_loop(0, S // 2, body, 0)
        plsc.subcore_barrier()

        for r in range(rows_per // (2 * EB)):
            pltpu.sync_copy(acc.at[pl.ds(r0 + r * 2 * EB, 2 * EB)], bufs)
            pltpu.sync_copy(bufs, out_sum.at[pl.ds(c * P + r0 + r * 2 * EB, 2 * EB)])
        if rows_per % (2 * EB):
            pltpu.sync_copy(acc.at[pl.ds(r0 + rows_per - EB, EB)],
                            bufs.at[pl.ds(0, EB)])
            pltpu.sync_copy(bufs.at[pl.ds(0, EB)],
                            out_sum.at[pl.ds(c * P + r0 + rows_per - EB, EB)])

    return sc_seg_sum


def _layer(x, W, b, s, t):
    y = jnp.maximum(jnp.dot(x, W, preferred_element_type=jnp.float32) + b, 0.0)
    return y * s + t


def _fc1_body(x_ref, W1, b1, s1, t1, W2, b2, s2, t2, W3, b3, s3, t3, out_ref):
    h = _layer(x_ref[...], W1[...], b1[...], s1[...], t1[...])
    h = _layer(h, W2[...], b2[...], s2[...], t2[...])
    h = _layer(h, W3[...], b3[...], s3[...], t3[...])
    lane = lax.broadcasted_iota(jnp.int32, (h.shape[0], FE - F), 1)
    extra = jnp.where(lane == 0, 1.0, 0.0).astype(jnp.float32)
    out_ref[...] = jnp.concatenate([h, extra], axis=1)


def _big_body(psum, posb, batchb,
              mW1, mb1, ms1, mt1, mW2, mb2, ms2, mt2, mW3, mb3, ms3, mt3,
              gWa, gWp, gb1, gs1, gt1, gW2, gb2, gs2, gt2, gW3, gb3, gs3, gt3,
              zout):
    i = pl.program_id(0)
    tot = psum[0] + psum[1]
    c = tot[:, F:F + 1]
    agg = tot[:, :F] / jnp.maximum(c, 1.0)
    a = _layer(agg, mW1[...], mb1[...], ms1[...], mt1[...])
    a = _layer(a, mW2[...], mb2[...], ms2[...], mt2[...])
    a = _layer(a, mW3[...], mb3[...], ms3[...], mt3[...])
    g = jnp.dot(a, gWa[...], preferred_element_type=jnp.float32)
    g = g + jnp.dot(posb[...], gWp[...], preferred_element_type=jnp.float32)
    g = jnp.maximum(g + gb1[...], 0.0) * gs1[...] + gt1[...]
    g = _layer(g, gW2[...], gb2[...], gs2[...], gt2[...])
    g = _layer(g, gW3[...], gb3[...], gs3[...], gt3[...])

    @pl.when(i == 0)
    def _():
        zout[...] = jnp.full(zout.shape, -jnp.inf, jnp.float32)

    bb = batchb[:, 0:1]
    parts = [
        jnp.max(jnp.where(bb == jnp.float32(gid), g, -jnp.inf),
                axis=0, keepdims=True)
        for gid in range(NUM_GRAPHS)
    ]
    zout[...] = jnp.maximum(zout[...], jnp.concatenate(parts, axis=0))


def _head_body(z_ref, aW, ab, as_, at, bW, bb_, bs, bt, lW, lb,
               zsafe_ref, dec_ref):
    z = z_ref[...]
    zs = jnp.where(jnp.isfinite(z), z, 0.0)
    zsafe_ref[...] = zs
    h = _layer(zs, aW[...], ab[...], as_[...], at[...])
    h = _layer(h, bW[...], bb_[...], bs[...], bt[...])
    dec_ref[...] = jnp.dot(h, lW[...], preferred_element_type=jnp.float32) + lb[...]


def _full(shape):
    return pl.BlockSpec(shape, lambda i: tuple(0 for _ in shape))


def _prep_mlp(params):
    out = []
    inv = 1.0 / jnp.sqrt(jnp.float32(1.0) + EPS)
    for (W, b, g, bt) in params:
        out.append((W, b[None, :], (g * inv)[None, :], bt[None, :]))
    return out


def kernel(x, pos, batch, edge_index, params):
    N = x.shape[0]
    E = edge_index.shape[1]
    P = ((N + RT - 1) // RT) * RT
    info = plsc.get_sparse_core_info()
    NC, NS = info.num_cores, info.num_subcores
    NW = NC * NS
    S = (E + NW * EB - 1) // (NW * EB)
    S = ((S + CH - 1) // CH) * CH
    Epad = NW * S * EB

    f32 = jnp.float32
    pad_dst = jnp.int32(N)

    xp = jnp.zeros((P, F), f32).at[:N, :3].set(x)
    posp = jnp.zeros((P, F), f32).at[:N, :3].set(pos)
    batchf = jnp.full((P, F), f32(NUM_GRAPHS)).at[:N, :].set(
        batch.astype(f32)[:, None])
    src = jnp.concatenate([edge_index[0].astype(jnp.int32),
                           jnp.zeros((Epad - E,), jnp.int32)])
    dst = jnp.concatenate([edge_index[1].astype(jnp.int32),
                           jnp.full((Epad - E,), pad_dst, jnp.int32)])
    idxp = jnp.stack([src.reshape(NW, S, EB), dst.reshape(NW, S, EB)], axis=2)
    pad_blocks = jnp.concatenate(
        [jnp.zeros((NW, 2, 1, EB), jnp.int32),
         jnp.full((NW, 2, 1, EB), pad_dst, jnp.int32)], axis=2)
    idxp = jnp.concatenate([idxp, pad_blocks], axis=1)
    zf = jnp.zeros((P, FE), f32)

    fc1 = _prep_mlp(params['fc1'])
    W1p = jnp.zeros((F, 64), f32).at[:3].set(fc1[0][0])
    mu = _prep_mlp(params['mu_nn'])
    gmu = _prep_mlp(params['gmu'])
    gWa = gmu[0][0][:256]
    gWp = jnp.zeros((F, 256), f32).at[:3].set(gmu[0][0][256:])
    mlp_a = _prep_mlp(params['mlp_a'])
    mlp_b = _prep_mlp(params['mlp_b'])
    lWp = jnp.zeros((F, F), f32).at[:, :3].set(params['lin_W'])
    lbp = jnp.zeros((1, F), f32).at[0, :3].set(params['lin_b'])

    grid = (P // RT,)

    h = pl.pallas_call(
        _fc1_body,
        grid=grid,
        in_specs=[pl.BlockSpec((RT, F), lambda i: (i, 0)),
                  _full((F, 64)), _full((1, 64)), _full((1, 64)), _full((1, 64)),
                  _full((64, 64)), _full((1, 64)), _full((1, 64)), _full((1, 64)),
                  _full((64, F)), _full((1, F)), _full((1, F)), _full((1, F))],
        out_specs=pl.BlockSpec((RT, FE), lambda i: (i, 0)),
        out_shape=jax.ShapeDtypeStruct((P, FE), f32),
    )(xp, W1p, fc1[0][1], fc1[0][2], fc1[0][3],
      fc1[1][0], fc1[1][1], fc1[1][2], fc1[1][3],
      fc1[2][0], fc1[2][1], fc1[2][2], fc1[2][3])

    sc_fn = _make_sc_segment_sum(P, S, NC, NS)
    sums = sc_fn(h, idxp, zf)
    sums = sums.reshape(NC, P, FE)

    z_acc = pl.pallas_call(
        _big_body,
        grid=grid,
        in_specs=[pl.BlockSpec((NC, RT, FE), lambda i: (0, i, 0)),
                  pl.BlockSpec((RT, F), lambda i: (i, 0)),
                  pl.BlockSpec((RT, F), lambda i: (i, 0)),
                  _full((F, F)), _full((1, F)), _full((1, F)), _full((1, F)),
                  _full((F, F)), _full((1, F)), _full((1, F)), _full((1, F)),
                  _full((F, 256)), _full((1, 256)), _full((1, 256)), _full((1, 256)),
                  _full((256, 256)), _full((F, 256)),
                  _full((1, 256)), _full((1, 256)), _full((1, 256)),
                  _full((256, 512)), _full((1, 512)), _full((1, 512)), _full((1, 512)),
                  _full((512, 1024)), _full((1, 1024)), _full((1, 1024)), _full((1, 1024))],
        out_specs=pl.BlockSpec((NUM_GRAPHS, 1024), lambda i: (0, 0)),
        out_shape=jax.ShapeDtypeStruct((NUM_GRAPHS, 1024), f32),
    )(sums, posp, batchf,
      mu[0][0], mu[0][1], mu[0][2], mu[0][3],
      mu[1][0], mu[1][1], mu[1][2], mu[1][3],
      mu[2][0], mu[2][1], mu[2][2], mu[2][3],
      gWa, gWp, gmu[0][1], gmu[0][2], gmu[0][3],
      gmu[1][0], gmu[1][1], gmu[1][2], gmu[1][3],
      gmu[2][0], gmu[2][1], gmu[2][2], gmu[2][3])

    zsafe, dec = pl.pallas_call(
        _head_body,
        out_shape=(jax.ShapeDtypeStruct((NUM_GRAPHS, 1024), f32),
                   jax.ShapeDtypeStruct((NUM_GRAPHS, F), f32)),
    )(z_acc,
      mlp_a[0][0], mlp_a[0][1], mlp_a[0][2], mlp_a[0][3],
      mlp_b[0][0], mlp_b[0][1], mlp_b[0][2], mlp_b[0][3],
      lWp, lbp)

    return (dec[:, :3], zsafe, pos, batch)

# --- scband reference (transcript-rebuilt; emitter-appended) ---
"""Pipeline reference for scband-net-1735166787999 (READ-ONLY COPY).

The authoritative reference and input builder live on the scoring server;
editing this copy changes nothing except your own understanding.
"""

import jax, jax.numpy as jnp
import numpy as np

NUM_GRAPHS = 8
EPS = 1e-5

def init_mlp(key, channels):
    params = []
    for i in range(1, len(channels)):
        key, k1 = jax.random.split(key)
        W = jax.random.normal(k1, (channels[i - 1], channels[i]), dtype=jnp.float32) / np.sqrt(channels[i - 1])
        b = jnp.zeros((channels[i],), jnp.float32)
        g = jnp.ones((channels[i],), jnp.float32)
        bt = jnp.zeros((channels[i],), jnp.float32)
        params.append((W, b, g, bt))
    return params

def apply_mlp(params, x):
    # Seq(Lin, ReLU, BatchNorm1d) per layer; BN in eval mode with running_mean=0, running_var=1
    for (W, b, g, bt) in params:
        x = jnp.dot(x, W) + b
        x = jax.nn.relu(x)
        x = g * (x / jnp.sqrt(1.0 + EPS)) + bt
    return x

def segment_mean(data, seg, num):
    s = jax.ops.segment_sum(data, seg, num_segments=num)
    c = jax.ops.segment_sum(jnp.ones((data.shape[0], 1), data.dtype), seg, num_segments=num)
    return s / jnp.maximum(c, 1.0)

def segment_max_safe(data, seg, num):
    m = jax.ops.segment_max(data, seg, num_segments=num)
    return jnp.where(jnp.isfinite(m), m, 0.0)

def setup_inputs(seed: int = 0):
    key = jax.random.key(seed)
    N = 10000
    E = 640000
    x = jax.random.normal(jax.random.fold_in(key, 0), (N, 3), dtype=jnp.float32)
    pos = jax.random.uniform(jax.random.fold_in(key, 1), (N, 3), dtype=jnp.float32)
    batch = jnp.sort(jax.random.randint(jax.random.fold_in(key, 2), (N,), 0, NUM_GRAPHS))
    edge_index = jax.random.randint(jax.random.fold_in(key, 3), (2, E), 0, N)
    params = {
        'fc1': init_mlp(jax.random.fold_in(key, 10), [3, 64, 64, 128]),
        'mu_nn': init_mlp(jax.random.fold_in(key, 11), [128, 128, 128, 256]),
        'sig_nn': init_mlp(jax.random.fold_in(key, 12), [128, 128, 128, 256]),
        'gmu': init_mlp(jax.random.fold_in(key, 13), [256 + 3, 256, 512, 1024]),
        'gsig': init_mlp(jax.random.fold_in(key, 14), [256 + 3, 256, 512, 1024]),
        'mlp_a': init_mlp(jax.random.fold_in(key, 15), [1024, 256]),
        'mlp_b': init_mlp(jax.random.fold_in(key, 16), [256, 128]),
        'lin_W': jax.random.normal(jax.random.fold_in(key, 17), (128, 3), dtype=jnp.float32) / np.sqrt(128.0),
        'lin_b': jnp.zeros((3,), jnp.float32),
    }
    return {'x': x, 'pos': pos, 'batch': batch, 'edge_index': edge_index, 'params': params}

def reference(x, pos, batch, edge_index, params):
    N = x.shape[0]
    # edge_index = stack([col, row]) in the torch code; src = edge_index[0], dst = edge_index[1]
    src = edge_index[0]
    dst = edge_index[1]
    h = apply_mlp(params['fc1'], x)
    # MuConv: mean-aggregate neighbor features then apply nn (GIN-style, nn input dim == feature dim)
    agg_mu = segment_mean(h[src], dst, N)
    # SigmaConv: max-aggregate neighbor features then apply nn
    agg_sig = segment_max_safe(h[src], dst, N)
    z_mu = apply_mlp(params['mu_nn'], agg_mu)
    z_sig = apply_mlp(params['sig_nn'], agg_sig)
    z_mu = apply_mlp(params['gmu'], jnp.concatenate([z_mu, pos], axis=1))
    z_sig = apply_mlp(params['gsig'], jnp.concatenate([z_sig, pos], axis=1))
    z_mu = segment_max_safe(z_mu, batch, NUM_GRAPHS)
    z_sig = segment_max_safe(z_sig, batch, NUM_GRAPHS)
    # eval mode: z = z_mu (no reparameterization noise); Dropout is identity in eval
    z = z_mu
    h2 = apply_mlp(params['mlp_a'], z)
    h2 = apply_mlp(params['mlp_b'], h2)
    decoded = jnp.dot(h2, params['lin_W']) + params['lin_b']
    return (decoded, z, pos, batch)

if __name__ == "__main__":
    import jax
    _d = setup_inputs()
    print(jax.jit(kernel)(*tuple(_d.values())))

</pallas_src>

<mosaic_0001>
#map = affine_map<(d0, d1) -> (0, 0)>
#map1 = affine_map<(d0, d1) -> (0, 0, 0, 0)>
module attributes {stable_mosaic.version = 14 : i64} {
  func.func @sc_seg_sum(%arg0: i32, %arg1: i32, %arg2: memref<10240x144xf32, #tpu.memory_space<hbm>>, %arg3: memref<32x160x2x128xi32, #tpu.memory_space<hbm>>, %arg4: memref<10240x144xf32, #tpu.memory_space<hbm>>, %arg5: memref<20480x144xf32, #tpu.memory_space<hbm>>, %arg6: memref<2x2x2x128xi32, #tpu.memory_space<vmem>>, %arg7: memref<256x144xf32, #tpu.memory_space<vmem>>, %arg8: memref<10240x144xf32, #tpu.memory_space<vmem_shared>>, %arg9: memref<!tpu.dma_semaphore, #tpu.memory_space<semaphore_mem>>, %arg10: memref<!tpu.dma_semaphore, #tpu.memory_space<semaphore_mem>>) attributes {dimension_semantics = [#tpu.dimension_semantics<core_parallel>, #tpu.dimension_semantics<subcore_parallel>], iteration_bounds = array<i64: 2, 16>, scalar_prefetch = 0 : i64, scratch_operands = 5 : i64, tpu.core_type = #tpu.core_type<sc_vector_subcore>, window_params = [{transform_indices = #map}, {transform_indices = #map1}, {transform_indices = #map}, {transform_indices = #map}]} {
    %mul3A = arith.constant 16 : i32
    %mul3A_0 = arith.muli %arg0, %mul3A : i32
    %add3A = arith.addi %mul3A_0, %arg1 : i32
    %mul3A_1 = arith.constant 640 : i32
    %mul3A_2 = arith.muli %arg1, %mul3A_1 : i32
    "tpu.region"() ({
      %run_scoped3A = tpu.sem_alloc : memref<!tpu.dma_semaphore, #tpu.memory_space<semaphore_mem>>
      %dma_start3A = arith.constant 0 : i32
      %dma_start3A_41 = arith.constant 0 : i32
      %dma_start3A_42 = tpu.memref_slice %arg4[%dma_start3A, %dma_start3A_41] : memref<10240x144xf32, #tpu.memory_space<hbm>> -> memref<256x144xf32, #tpu.memory_space<hbm>>
      %dma_start3A_43 = arith.constant 0 : i32
      %dma_start3A_44 = arith.constant 0 : i32
      %dma_start3A_45 = tpu.memref_slice %arg4[%dma_start3A_43, %dma_start3A_44] : memref<10240x144xf32, #tpu.memory_space<hbm>> -> memref<256x144xf32, #tpu.memory_space<hbm>>
      tpu.enqueue_dma source(%dma_start3A_45 : memref<256x144xf32, #tpu.memory_space<hbm>>) target(%arg7 : memref<256x144xf32, #tpu.memory_space<vmem>>) target_semaphore(%run_scoped3A : memref<!tpu.dma_semaphore, #tpu.memory_space<semaphore_mem>>)
      %dma_wait3A = arith.constant 0 : i32
      %dma_wait3A_46 = arith.constant 0 : i32
      %dma_wait3A_47 = tpu.memref_slice %arg4[%dma_wait3A, %dma_wait3A_46] : memref<10240x144xf32, #tpu.memory_space<hbm>> -> memref<256x144xf32, #tpu.memory_space<hbm>>
      %dma_wait3A_48 = arith.constant 0 : i32
      %dma_wait3A_49 = arith.constant 0 : i32
      %dma_wait3A_50 = tpu.memref_slice %arg4[%dma_wait3A_48, %dma_wait3A_49] : memref<10240x144xf32, #tpu.memory_space<hbm>> -> memref<256x144xf32, #tpu.memory_space<hbm>>
      tpu.wait_dma2 semaphore(%run_scoped3A : memref<!tpu.dma_semaphore, #tpu.memory_space<semaphore_mem>>) src(%dma_wait3A_50 : memref<256x144xf32, #tpu.memory_space<hbm>>) dst(%arg7 : memref<256x144xf32, #tpu.memory_space<vmem>>)
      tpu.yield
    }) : () -> ()
    %add3A_3 = arith.constant 0 : i32
    %add3A_4 = arith.addi %mul3A_2, %add3A_3 : i32
    "tpu.region"() ({
      %run_scoped3A = tpu.sem_alloc : memref<!tpu.dma_semaphore, #tpu.memory_space<semaphore_mem>>
      %dma_start3A = arith.constant 0 : i32
      %dma_start3A_41 = tpu.memref_slice %arg8[%add3A_4, %dma_start3A] : memref<10240x144xf32, #tpu.memory_space<vmem_shared>> -> memref<256x144xf32, #tpu.memory_space<vmem_shared>>
      %dma_start3A_42 = arith.constant 0 : i32
      %dma_start3A_43 = tpu.memref_slice %arg8[%add3A_4, %dma_start3A_42] : memref<10240x144xf32, #tpu.memory_space<vmem_shared>> -> memref<256x144xf32, #tpu.memory_space<vmem_shared>>
      tpu.enqueue_dma source(%arg7 : memref<256x144xf32, #tpu.memory_space<vmem>>) target(%dma_start3A_43 : memref<256x144xf32, #tpu.memory_space<vmem_shared>>) target_semaphore(%run_scoped3A : memref<!tpu.dma_semaphore, #tpu.memory_space<semaphore_mem>>)
      %dma_wait3A = arith.constant 0 : i32
      %dma_wait3A_44 = tpu.memref_slice %arg8[%add3A_4, %dma_wait3A] : memref<10240x144xf32, #tpu.memory_space<vmem_shared>> -> memref<256x144xf32, #tpu.memory_space<vmem_shared>>
      %dma_wait3A_45 = arith.constant 0 : i32
      %dma_wait3A_46 = tpu.memref_slice %arg8[%add3A_4, %dma_wait3A_45] : memref<10240x144xf32, #tpu.memory_space<vmem_shared>> -> memref<256x144xf32, #tpu.memory_space<vmem_shared>>
      tpu.wait_dma2 semaphore(%run_scoped3A : memref<!tpu.dma_semaphore, #tpu.memory_space<semaphore_mem>>) src(%arg7 : memref<256x144xf32, #tpu.memory_space<vmem>>) dst(%dma_wait3A_46 : memref<256x144xf32, #tpu.memory_space<vmem_shared>>)
      tpu.yield
    }) : () -> ()
    %add3A_5 = arith.constant 256 : i32
    %add3A_6 = arith.addi %mul3A_2, %add3A_5 : i32
    "tpu.region"() ({
      %run_scoped3A = tpu.sem_alloc : memref<!tpu.dma_semaphore, #tpu.memory_space<semaphore_mem>>
      %dma_start3A = arith.constant 0 : i32
      %dma_start3A_41 = tpu.memref_slice %arg8[%add3A_6, %dma_start3A] : memref<10240x144xf32, #tpu.memory_space<vmem_shared>> -> memref<256x144xf32, #tpu.memory_space<vmem_shared>>
      %dma_start3A_42 = arith.constant 0 : i32
      %dma_start3A_43 = tpu.memref_slice %arg8[%add3A_6, %dma_start3A_42] : memref<10240x144xf32, #tpu.memory_space<vmem_shared>> -> memref<256x144xf32, #tpu.memory_space<vmem_shared>>
      tpu.enqueue_dma source(%arg7 : memref<256x144xf32, #tpu.memory_space<vmem>>) target(%dma_start3A_43 : memref<256x144xf32, #tpu.memory_space<vmem_shared>>) target_semaphore(%run_scoped3A : memref<!tpu.dma_semaphore, #tpu.memory_space<semaphore_mem>>)
      %dma_wait3A = arith.constant 0 : i32
      %dma_wait3A_44 = tpu.memref_slice %arg8[%add3A_6, %dma_wait3A] : memref<10240x144xf32, #tpu.memory_space<vmem_shared>> -> memref<256x144xf32, #tpu.memory_space<vmem_shared>>
      %dma_wait3A_45 = arith.constant 0 : i32
      %dma_wait3A_46 = tpu.memref_slice %arg8[%add3A_6, %dma_wait3A_45] : memref<10240x144xf32, #tpu.memory_space<vmem_shared>> -> memref<256x144xf32, #tpu.memory_space<vmem_shared>>
      tpu.wait_dma2 semaphore(%run_scoped3A : memref<!tpu.dma_semaphore, #tpu.memory_space<semaphore_mem>>) src(%arg7 : memref<256x144xf32, #tpu.memory_space<vmem>>) dst(%dma_wait3A_46 : memref<256x144xf32, #tpu.memory_space<vmem_shared>>)
      tpu.yield
    }) : () -> ()
    %add3A_7 = arith.constant 640 : i32
    %add3A_8 = arith.addi %mul3A_2, %add3A_7 : i32
    %sub3A = arith.constant 128 : i32
    %sub3A_9 = arith.subi %add3A_8, %sub3A : i32
    "tpu.region"() ({
      %run_scoped3A = tpu.sem_alloc : memref<!tpu.dma_semaphore, #tpu.memory_space<semaphore_mem>>
      %dma_start3A = arith.constant 0 : i32
      %dma_start3A_41 = arith.constant 0 : i32
      %dma_start3A_42 = tpu.memref_slice %arg7[%dma_start3A, %dma_start3A_41] : memref<256x144xf32, #tpu.memory_space<vmem>> -> memref<128x144xf32, #tpu.memory_space<vmem>>
      %dma_start3A_43 = arith.constant 0 : i32
      %dma_start3A_44 = tpu.memref_slice %arg8[%sub3A_9, %dma_start3A_43] : memref<10240x144xf32, #tpu.memory_space<vmem_shared>> -> memref<128x144xf32, #tpu.memory_space<vmem_shared>>
      %dma_start3A_45 = arith.constant 0 : i32
      %dma_start3A_46 = tpu.memref_slice %arg8[%sub3A_9, %dma_start3A_45] : memref<10240x144xf32, #tpu.memory_space<vmem_shared>> -> memref<128x144xf32, #tpu.memory_space<vmem_shared>>
      %dma_start3A_47 = arith.constant 0 : i32
      %dma_start3A_48 = arith.constant 0 : i32
      %dma_start3A_49 = tpu.memref_slice %arg7[%dma_start3A_47, %dma_start3A_48] : memref<256x144xf32, #tpu.memory_space<vmem>> -> memref<128x144xf32, #tpu.memory_space<vmem>>
      tpu.enqueue_dma source(%dma_start3A_49 : memref<128x144xf32, #tpu.memory_space<vmem>>) target(%dma_start3A_46 : memref<128x144xf32, #tpu.memory_space<vmem_shared>>) target_semaphore(%run_scoped3A : memref<!tpu.dma_semaphore, #tpu.memory_space<semaphore_mem>>)
      %dma_wait3A = arith.constant 0 : i32
      %dma_wait3A_50 = arith.constant 0 : i32
      %dma_wait3A_51 = tpu.memref_slice %arg7[%dma_wait3A, %dma_wait3A_50] : memref<256x144xf32, #tpu.memory_space<vmem>> -> memref<128x144xf32, #tpu.memory_space<vmem>>
      %dma_wait3A_52 = arith.constant 0 : i32
      %dma_wait3A_53 = tpu.memref_slice %arg8[%sub3A_9, %dma_wait3A_52] : memref<10240x144xf32, #tpu.memory_space<vmem_shared>> -> memref<128x144xf32, #tpu.memory_space<vmem_shared>>
      %dma_wait3A_54 = arith.constant 0 : i32
      %dma_wait3A_55 = tpu.memref_slice %arg8[%sub3A_9, %dma_wait3A_54] : memref<10240x144xf32, #tpu.memory_space<vmem_shared>> -> memref<128x144xf32, #tpu.memory_space<vmem_shared>>
      %dma_wait3A_56 = arith.constant 0 : i32
      %dma_wait3A_57 = arith.constant 0 : i32
      %dma_wait3A_58 = tpu.memref_slice %arg7[%dma_wait3A_56, %dma_wait3A_57] : memref<256x144xf32, #tpu.memory_space<vmem>> -> memref<128x144xf32, #tpu.memory_space<vmem>>
      tpu.wait_dma2 semaphore(%run_scoped3A : memref<!tpu.dma_semaphore, #tpu.memory_space<semaphore_mem>>) src(%dma_wait3A_58 : memref<128x144xf32, #tpu.memory_space<vmem>>) dst(%dma_wait3A_55 : memref<128x144xf32, #tpu.memory_space<vmem_shared>>)
      tpu.yield
    }) : () -> ()
    %barrier3A = arith.constant 0 : index
    tpu.barrier barrier_id(%barrier3A)
    %scan3A = arith.constant 0 : i32
    %scan3A_10 = arith.constant 0 : i32
    %scan3A_11 = arith.constant 79 : i32
    %scan3A_12 = arith.addi %scan3A_10, %scan3A_11 : i32
    %scan3A_13 = arith.constant 1 : i32
    scf.for %scan3A_41 = %scan3A_10 to %scan3A_12 step %scan3A_13  : i32 {
      %mul3A_42 = arith.constant 2 : i32
      %mul3A_43 = arith.muli %mul3A_42, %scan3A_41 : i32
      %run_scoped3A = arith.constant 0 : i32
      "tpu.region"() ({
        %run_scoped3A_96 = tpu.sem_alloc : memref<!tpu.dma_semaphore, #tpu.memory_space<semaphore_mem>>
        %dma_start3A_97 = arith.constant 0 : i32
        %dma_start3A_98 = arith.constant 0 : i32
        %dma_start3A_99 = arith.constant 0 : i32
        %dma_start3A_100 = tpu.memref_slice %arg6[%run_scoped3A, %dma_start3A_97, %dma_start3A_98, %dma_start3A_99] : memref<2x2x2x128xi32, #tpu.memory_space<vmem>> -> memref<1x2x2x128xi32, #tpu.memory_space<vmem>>
        %dma_start3A_101 = tpu.memref_squeeze %dma_start3A_100 : memref<1x2x2x128xi32, #tpu.memory_space<vmem>> -> memref<2x2x128xi32, #tpu.memory_space<vmem>>
        %dma_start3A_102 = arith.constant 0 : i32
        %dma_start3A_103 = arith.constant 0 : i32
        %dma_start3A_104 = tpu.memref_slice %arg3[%add3A, %mul3A_43, %dma_start3A_102, %dma_start3A_103] : memref<32x160x2x128xi32, #tpu.memory_space<hbm>> -> memref<1x2x2x128xi32, #tpu.memory_space<hbm>>
        %dma_start3A_105 = tpu.memref_squeeze %dma_start3A_104 : memref<1x2x2x128xi32, #tpu.memory_space<hbm>> -> memref<2x2x128xi32, #tpu.memory_space<hbm>>
        %dma_start3A_106 = arith.constant 0 : i32
        %dma_start3A_107 = arith.constant 0 : i32
        %dma_start3A_108 = arith.constant 0 : i32
        %dma_start3A_109 = tpu.memref_slice %arg6[%run_scoped3A, %dma_start3A_106, %dma_start3A_107, %dma_start3A_108] : memref<2x2x2x128xi32, #tpu.memory_space<vmem>> -> memref<1x2x2x128xi32, #tpu.memory_space<vmem>>
        %dma_start3A_110 = tpu.memref_squeeze %dma_start3A_109 : memref<1x2x2x128xi32, #tpu.memory_space<vmem>> -> memref<2x2x128xi32, #tpu.memory_space<vmem>>
        %dma_start3A_111 = arith.constant 0 : i32
        %dma_start3A_112 = arith.constant 0 : i32
        %dma_start3A_113 = tpu.memref_slice %arg3[%add3A, %mul3A_43, %dma_start3A_111, %dma_start3A_112] : memref<32x160x2x128xi32, #tpu.memory_space<hbm>> -> memref<1x2x2x128xi32, #tpu.memory_space<hbm>>
        %dma_start3A_114 = tpu.memref_squeeze %dma_start3A_113 : memref<1x2x2x128xi32, #tpu.memory_space<hbm>> -> memref<2x2x128xi32, #tpu.memory_space<hbm>>
        tpu.enqueue_dma source(%dma_start3A_114 : memref<2x2x128xi32, #tpu.memory_space<hbm>>) target(%dma_start3A_110 : memref<2x2x128xi32, #tpu.memory_space<vmem>>) target_semaphore(%run_scoped3A_96 : memref<!tpu.dma_semaphore, #tpu.memory_space<semaphore_mem>>)
        %dma_wait3A_115 = arith.constant 0 : i32
        %dma_wait3A_116 = arith.constant 0 : i32
        %dma_wait3A_117 = arith.constant 0 : i32
        %dma_wait3A_118 = tpu.memref_slice %arg6[%run_scoped3A, %dma_wait3A_115, %dma_wait3A_116, %dma_wait3A_117] : memref<2x2x2x128xi32, #tpu.memory_space<vmem>> -> memref<1x2x2x128xi32, #tpu.memory_space<vmem>>
        %dma_wait3A_119 = tpu.memref_squeeze %dma_wait3A_118 : memref<1x2x2x128xi32, #tpu.memory_space<vmem>> -> memref<2x2x128xi32, #tpu.memory_space<vmem>>
        %dma_wait3A_120 = arith.constant 0 : i32
        %dma_wait3A_121 = arith.constant 0 : i32
        %dma_wait3A_122 = tpu.memref_slice %arg3[%add3A, %mul3A_43, %dma_wait3A_120, %dma_wait3A_121] : memref<32x160x2x128xi32, #tpu.memory_space<hbm>> -> memref<1x2x2x128xi32, #tpu.memory_space<hbm>>
        %dma_wait3A_123 = tpu.memref_squeeze %dma_wait3A_122 : memref<1x2x2x128xi32, #tpu.memory_space<hbm>> -> memref<2x2x128xi32, #tpu.memory_space<hbm>>
        %dma_wait3A_124 = arith.constant 0 : i32
        %dma_wait3A_125 = arith.constant 0 : i32
        %dma_wait3A_126 = arith.constant 0 : i32
        %dma_wait3A_127 = tpu.memref_slice %arg6[%run_scoped3A, %dma_wait3A_124, %dma_wait3A_125, %dma_wait3A_126] : memref<2x2x2x128xi32, #tpu.memory_space<vmem>> -> memref<1x2x2x128xi32, #tpu.memory_space<vmem>>
        %dma_wait3A_128 = tpu.memref_squeeze %dma_wait3A_127 : memref<1x2x2x128xi32, #tpu.memory_space<vmem>> -> memref<2x2x128xi32, #tpu.memory_space<vmem>>
        %dma_wait3A_129 = arith.constant 0 : i32
        %dma_wait3A_130 = arith.constant 0 : i32
        %dma_wait3A_131 = tpu.memref_slice %arg3[%add3A, %mul3A_43, %dma_wait3A_129, %dma_wait3A_130] : memref<32x160x2x128xi32, #tpu.memory_space<hbm>> -> memref<1x2x2x128xi32, #tpu.memory_space<hbm>>
        %dma_wait3A_132 = tpu.memref_squeeze %dma_wait3A_131 : memref<1x2x2x128xi32, #tpu.memory_space<hbm>> -> memref<2x2x128xi32, #tpu.memory_space<hbm>>
        tpu.wait_dma2 semaphore(%run_scoped3A_96 : memref<!tpu.dma_semaphore, #tpu.memory_space<semaphore_mem>>) src(%dma_wait3A_132 : memref<2x2x128xi32, #tpu.memory_space<hbm>>) dst(%dma_wait3A_128 : memref<2x2x128xi32, #tpu.memory_space<vmem>>)
        tpu.yield
      }) : () -> ()
      %dma_start3A = arith.constant 0 : i32
      %dma_start3A_44 = arith.constant 0 : i32
      %dma_start3A_45 = arith.constant 0 : i32
      %dma_start3A_46 = arith.constant 0 : i32
      %dma_start3A_47 = arith.constant 0 : i32
      %dma_start3A_48 = tpu.memref_slice %arg7[%dma_start3A_46, %dma_start3A_47] : memref<256x144xf32, #tpu.memory_space<vmem>> -> memref<128x144xf32, #tpu.memory_space<vmem>>
      %dma_start3A_49 = arith.constant 0 : i32
      %dma_start3A_50 = tpu.memref_slice %arg6[%dma_start3A, %dma_start3A_44, %dma_start3A_45, %dma_start3A_49] : memref<2x2x2x128xi32, #tpu.memory_space<vmem>> -> memref<1x1x1x128xi32, #tpu.memory_space<vmem>>
      %dma_start3A_51 = tpu.memref_squeeze %dma_start3A_50 : memref<1x1x1x128xi32, #tpu.memory_space<vmem>> -> memref<128xi32, #tpu.memory_space<vmem>>
      %dma_start3A_52 = arith.constant 0 : i32
      %dma_start3A_53 = arith.constant 0 : i32
      %dma_start3A_54 = tpu.memref_slice %arg2[%dma_start3A_52, %dma_start3A_53] : memref<10240x144xf32, #tpu.memory_space<hbm>> -> memref<10240x144xf32, #tpu.memory_space<hbm>>
      tpu.enqueue_indirect_dma source(%dma_start3A_54 : memref<10240x144xf32, #tpu.memory_space<hbm>>) target(%dma_start3A_48 : memref<128x144xf32, #tpu.memory_space<vmem>>) offsets(%dma_start3A_51 : memref<128xi32, #tpu.memory_space<vmem>>) semaphore(%arg9 : memref<!tpu.dma_semaphore, #tpu.memory_space<semaphore_mem>>)
      %dma_start3A_55 = arith.constant 0 : i32
      %dma_start3A_56 = arith.constant 1 : i32
      %dma_start3A_57 = arith.constant 0 : i32
      %dma_start3A_58 = arith.constant 128 : i32
      %dma_start3A_59 = arith.constant 0 : i32
      %dma_start3A_60 = tpu.memref_slice %arg7[%dma_start3A_58, %dma_start3A_59] : memref<256x144xf32, #tpu.memory_space<vmem>> -> memref<128x144xf32, #tpu.memory_space<vmem>>
      %dma_start3A_61 = arith.constant 0 : i32
      %dma_start3A_62 = tpu.memref_slice %arg6[%dma_start3A_55, %dma_start3A_56, %dma_start3A_57, %dma_start3A_61] : memref<2x2x2x128xi32, #tpu.memory_space<vmem>> -> memref<1x1x1x128xi32, #tpu.memory_space<vmem>>
      %dma_start3A_63 = tpu.memref_squeeze %dma_start3A_62 : memref<1x1x1x128xi32, #tpu.memory_space<vmem>> -> memref<128xi32, #tpu.memory_space<vmem>>
      %dma_start3A_64 = arith.constant 0 : i32
      %dma_start3A_65 = arith.constant 0 : i32
      %dma_start3A_66 = tpu.memref_slice %arg2[%dma_start3A_64, %dma_start3A_65] : memref<10240x144xf32, #tpu.memory_space<hbm>> -> memref<10240x144xf32, #tpu.memory_space<hbm>>
      tpu.enqueue_indirect_dma source(%dma_start3A_66 : memref<10240x144xf32, #tpu.memory_space<hbm>>) target(%dma_start3A_60 : memref<128x144xf32, #tpu.memory_space<vmem>>) offsets(%dma_start3A_63 : memref<128xi32, #tpu.memory_space<vmem>>) semaphore(%arg9 : memref<!tpu.dma_semaphore, #tpu.memory_space<semaphore_mem>>)
      %dma_wait3A = arith.constant 0 : i32
      %dma_wait3A_67 = arith.constant 0 : i32
      %dma_wait3A_68 = arith.constant 0 : i32
      %dma_wait3A_69 = arith.constant 0 : i32
      %dma_wait3A_70 = arith.constant 0 : i32
      %dma_wait3A_71 = tpu.memref_slice %arg7[%dma_wait3A_69, %dma_wait3A_70] : memref<256x144xf32, #tpu.memory_space<vmem>> -> memref<128x144xf32, #tpu.memory_space<vmem>>
      %dma_wait3A_72 = arith.constant 0 : i32
      %dma_wait3A_73 = tpu.memref_slice %arg6[%dma_wait3A, %dma_wait3A_67, %dma_wait3A_68, %dma_wait3A_72] : memref<2x2x2x128xi32, #tpu.memory_space<vmem>> -> memref<1x1x1x128xi32, #tpu.memory_space<vmem>>
      %dma_wait3A_74 = tpu.memref_squeeze %dma_wait3A_73 : memref<1x1x1x128xi32, #tpu.memory_space<vmem>> -> memref<128xi32, #tpu.memory_space<vmem>>
      %dma_wait3A_75 = arith.constant 0 : i32
      %dma_wait3A_76 = arith.constant 0 : i32
      %dma_wait3A_77 = tpu.memref_slice %arg2[%dma_wait3A_75, %dma_wait3A_76] : memref<10240x144xf32, #tpu.memory_space<hbm>> -> memref<10240x144xf32, #tpu.memory_space<hbm>>
      tpu.wait_indirect_dma semaphore(%arg9 : memref<!tpu.dma_semaphore, #tpu.memory_space<semaphore_mem>>) src(%dma_wait3A_77 : memref<10240x144xf32, #tpu.memory_space<hbm>>) dst(%dma_wait3A_71 : memref<128x144xf32, #tpu.memory_space<vmem>>)
      %run_scoped3A_78 = arith.constant 0 : i32
      %run_scoped3A_79 = arith.constant 0 : i32
      %run_scoped3A_80 = arith.constant 1 : i32
      "tpu.region"() ({
        %run_scoped3A_96 = tpu.sem_alloc : memref<!tpu.dma_semaphore, #tpu.memory_space<semaphore_mem>>
        %dma_start3A_97 = arith.constant 0 : i32
        %dma_start3A_98 = arith.constant 0 : i32
        %dma_start3A_99 = tpu.memref_slice %arg7[%dma_start3A_97, %dma_start3A_98] : memref<256x144xf32, #tpu.memory_space<vmem>> -> memref<128x144xf32, #tpu.memory_space<vmem>>
        %dma_start3A_100 = arith.constant 0 : i32
        %dma_start3A_101 = tpu.memref_slice %arg6[%run_scoped3A_78, %run_scoped3A_79, %run_scoped3A_80, %dma_start3A_100] : memref<2x2x2x128xi32, #tpu.memory_space<vmem>> -> memref<1x1x1x128xi32, #tpu.memory_space<vmem>>
        %dma_start3A_102 = tpu.memref_squeeze %dma_start3A_101 : memref<1x1x1x128xi32, #tpu.memory_space<vmem>> -> memref<128xi32, #tpu.memory_space<vmem>>
        %dma_start3A_103 = arith.constant 0 : i32
        %dma_start3A_104 = arith.constant 0 : i32
        %dma_start3A_105 = tpu.memref_slice %arg8[%dma_start3A_103, %dma_start3A_104] : memref<10240x144xf32, #tpu.memory_space<vmem_shared>> -> memref<10240x144xf32, #tpu.memory_space<vmem_shared>>
        tpu.enqueue_indirect_dma source(%dma_start3A_99 : memref<128x144xf32, #tpu.memory_space<vmem>>) target(%dma_start3A_105 : memref<10240x144xf32, #tpu.memory_space<vmem_shared>>) offsets(%dma_start3A_102 : memref<128xi32, #tpu.memory_space<vmem>>) semaphore(%run_scoped3A_96 : memref<!tpu.dma_semaphore, #tpu.memory_space<semaphore_mem>>) {add = true}
        %dma_wait3A_106 = arith.constant 0 : i32
        %dma_wait3A_107 = arith.constant 0 : i32
        %dma_wait3A_108 = tpu.memref_slice %arg7[%dma_wait3A_106, %dma_wait3A_107] : memref<256x144xf32, #tpu.memory_space<vmem>> -> memref<128x144xf32, #tpu.memory_space<vmem>>
        %dma_wait3A_109 = arith.constant 0 : i32
        %dma_wait3A_110 = tpu.memref_slice %arg6[%run_scoped3A_78, %run_scoped3A_79, %run_scoped3A_80, %dma_wait3A_109] : memref<2x2x2x128xi32, #tpu.memory_space<vmem>> -> memref<1x1x1x128xi32, #tpu.memory_space<vmem>>
        %dma_wait3A_111 = tpu.memref_squeeze %dma_wait3A_110 : memref<1x1x1x128xi32, #tpu.memory_space<vmem>> -> memref<128xi32, #tpu.memory_space<vmem>>
        %dma_wait3A_112 = arith.constant 0 : i32
        %dma_wait3A_113 = arith.constant 0 : i32
        %dma_wait3A_114 = tpu.memref_slice %arg8[%dma_wait3A_112, %dma_wait3A_113] : memref<10240x144xf32, #tpu.memory_space<vmem_shared>> -> memref<10240x144xf32, #tpu.memory_space<vmem_shared>>
        tpu.wait_indirect_dma semaphore(%run_scoped3A_96 : memref<!tpu.dma_semaphore, #tpu.memory_space<semaphore_mem>>) src(%dma_wait3A_108 : memref<128x144xf32, #tpu.memory_space<vmem>>) dst(%dma_wait3A_114 : memref<10240x144xf32, #tpu.memory_space<vmem_shared>>)
        tpu.yield
      }) : () -> ()
      %dma_wait3A_81 = arith.constant 0 : i32
      %dma_wait3A_82 = arith.constant 1 : i32
      %dma_wait3A_83 = arith.constant 0 : i32
      %dma_wait3A_84 = arith.constant 128 : i32
      %dma_wait3A_85 = arith.constant 0 : i32
      %dma_wait3A_86 = tpu.memref_slice %arg7[%dma_wait3A_84, %dma_wait3A_85] : memref<256x144xf32, #tpu.memory_space<vmem>> -> memref<128x144xf32, #tpu.memory_space<vmem>>
      %dma_wait3A_87 = arith.constant 0 : i32
      %dma_wait3A_88 = tpu.memref_slice %arg6[%dma_wait3A_81, %dma_wait3A_82, %dma_wait3A_83, %dma_wait3A_87] : memref<2x2x2x128xi32, #tpu.memory_space<vmem>> -> memref<1x1x1x128xi32, #tpu.memory_space<vmem>>
      %dma_wait3A_89 = tpu.memref_squeeze %dma_wait3A_88 : memref<1x1x1x128xi32, #tpu.memory_space<vmem>> -> memref<128xi32, #tpu.memory_space<vmem>>
      %dma_wait3A_90 = arith.constant 0 : i32
      %dma_wait3A_91 = arith.constant 0 : i32
      %dma_wait3A_92 = tpu.memref_slice %arg2[%dma_wait3A_90, %dma_wait3A_91] : memref<10240x144xf32, #tpu.memory_space<hbm>> -> memref<10240x144xf32, #tpu.memory_space<hbm>>
      tpu.wait_indirect_dma semaphore(%arg9 : memref<!tpu.dma_semaphore, #tpu.memory_space<semaphore_mem>>) src(%dma_wait3A_92 : memref<10240x144xf32, #tpu.memory_space<hbm>>) dst(%dma_wait3A_86 : memref<128x144xf32, #tpu.memory_space<vmem>>)
      %run_scoped3A_93 = arith.constant 0 : i32
      %run_scoped3A_94 = arith.constant 1 : i32
      %run_scoped3A_95 = arith.constant 1 : i32
      "tpu.region"() ({
        %run_scoped3A_96 = tpu.sem_alloc : memref<!tpu.dma_semaphore, #tpu.memory_space<semaphore_mem>>
        %dma_start3A_97 = arith.constant 128 : i32
        %dma_start3A_98 = arith.constant 0 : i32
        %dma_start3A_99 = tpu.memref_slice %arg7[%dma_start3A_97, %dma_start3A_98] : memref<256x144xf32, #tpu.memory_space<vmem>> -> memref<128x144xf32, #tpu.memory_space<vmem>>
        %dma_start3A_100 = arith.constant 0 : i32
        %dma_start3A_101 = tpu.memref_slice %arg6[%run_scoped3A_93, %run_scoped3A_94, %run_scoped3A_95, %dma_start3A_100] : memref<2x2x2x128xi32, #tpu.memory_space<vmem>> -> memref<1x1x1x128xi32, #tpu.memory_space<vmem>>
        %dma_start3A_102 = tpu.memref_squeeze %dma_start3A_101 : memref<1x1x1x128xi32, #tpu.memory_space<vmem>> -> memref<128xi32, #tpu.memory_space<vmem>>
        %dma_start3A_103 = arith.constant 0 : i32
        %dma_start3A_104 = arith.constant 0 : i32
        %dma_start3A_105 = tpu.memref_slice %arg8[%dma_start3A_103, %dma_start3A_104] : memref<10240x144xf32, #tpu.memory_space<vmem_shared>> -> memref<10240x144xf32, #tpu.memory_space<vmem_shared>>
        tpu.enqueue_indirect_dma source(%dma_start3A_99 : memref<128x144xf32, #tpu.memory_space<vmem>>) target(%dma_start3A_105 : memref<10240x144xf32, #tpu.memory_space<vmem_shared>>) offsets(%dma_start3A_102 : memref<128xi32, #tpu.memory_space<vmem>>) semaphore(%run_scoped3A_96 : memref<!tpu.dma_semaphore, #tpu.memory_space<semaphore_mem>>) {add = true}
        %dma_wait3A_106 = arith.constant 128 : i32
        %dma_wait3A_107 = arith.constant 0 : i32
        %dma_wait3A_108 = tpu.memref_slice %arg7[%dma_wait3A_106, %dma_wait3A_107] : memref<256x144xf32, #tpu.memory_space<vmem>> -> memref<128x144xf32, #tpu.memory_space<vmem>>
        %dma_wait3A_109 = arith.constant 0 : i32
        %dma_wait3A_110 = tpu.memref_slice %arg6[%run_scoped3A_93, %run_scoped3A_94, %run_scoped3A_95, %dma_wait3A_109] : memref<2x2x2x128xi32, #tpu.memory_space<vmem>> -> memref<1x1x1x128xi32, #tpu.memory_space<vmem>>
        %dma_wait3A_111 = tpu.memref_squeeze %dma_wait3A_110 : memref<1x1x1x128xi32, #tpu.memory_space<vmem>> -> memref<128xi32, #tpu.memory_space<vmem>>
        %dma_wait3A_112 = arith.constant 0 : i32
        %dma_wait3A_113 = arith.constant 0 : i32
        %dma_wait3A_114 = tpu.memref_slice %arg8[%dma_wait3A_112, %dma_wait3A_113] : memref<10240x144xf32, #tpu.memory_space<vmem_shared>> -> memref<10240x144xf32, #tpu.memory_space<vmem_shared>>
        tpu.wait_indirect_dma semaphore(%run_scoped3A_96 : memref<!tpu.dma_semaphore, #tpu.memory_space<semaphore_mem>>) src(%dma_wait3A_108 : memref<128x144xf32, #tpu.memory_space<vmem>>) dst(%dma_wait3A_114 : memref<10240x144xf32, #tpu.memory_space<vmem_shared>>)
        tpu.yield
      }) : () -> ()
    }
    %scan3A_14 = arith.constant 79 : i32
    %barrier3A_15 = arith.constant 0 : index
    tpu.barrier barrier_id(%barrier3A_15)
    %add3A_16 = arith.constant 0 : i32
    %add3A_17 = arith.addi %mul3A_2, %add3A_16 : i32
    "tpu.region"() ({
      %run_scoped3A = tpu.sem_alloc : memref<!tpu.dma_semaphore, #tpu.memory_space<semaphore_mem>>
      %dma_start3A = arith.constant 0 : i32
      %dma_start3A_41 = tpu.memref_slice %arg8[%add3A_17, %dma_start3A] : memref<10240x144xf32, #tpu.memory_space<vmem_shared>> -> memref<256x144xf32, #tpu.memory_space<vmem_shared>>
      %dma_start3A_42 = arith.constant 0 : i32
      %dma_start3A_43 = tpu.memref_slice %arg8[%add3A_17, %dma_start3A_42] : memref<10240x144xf32, #tpu.memory_space<vmem_shared>> -> memref<256x144xf32, #tpu.memory_space<vmem_shared>>
      tpu.enqueue_dma source(%dma_start3A_43 : memref<256x144xf32, #tpu.memory_space<vmem_shared>>) target(%arg7 : memref<256x144xf32, #tpu.memory_space<vmem>>) target_semaphore(%run_scoped3A : memref<!tpu.dma_semaphore, #tpu.memory_space<semaphore_mem>>)
      %dma_wait3A = arith.constant 0 : i32
      %dma_wait3A_44 = tpu.memref_slice %arg8[%add3A_17, %dma_wait3A] : memref<10240x144xf32, #tpu.memory_space<vmem_shared>> -> memref<256x144xf32, #tpu.memory_space<vmem_shared>>
      %dma_wait3A_45 = arith.constant 0 : i32
      %dma_wait3A_46 = tpu.memref_slice %arg8[%add3A_17, %dma_wait3A_45] : memref<10240x144xf32, #tpu.memory_space<vmem_shared>> -> memref<256x144xf32, #tpu.memory_space<vmem_shared>>
      tpu.wait_dma2 semaphore(%run_scoped3A : memref<!tpu.dma_semaphore, #tpu.memory_space<semaphore_mem>>) src(%dma_wait3A_46 : memref<256x144xf32, #tpu.memory_space<vmem_shared>>) dst(%arg7 : memref<256x144xf32, #tpu.memory_space<vmem>>)
      tpu.yield
    }) : () -> ()
    %mul3A_18 = arith.constant 10240 : i32
    %mul3A_19 = arith.muli %arg0, %mul3A_18 : i32
    %add3A_20 = arith.addi %mul3A_19, %mul3A_2 : i32
    %add3A_21 = arith.constant 0 : i32
    %add3A_22 = arith.addi %add3A_20, %add3A_21 : i32
    "tpu.region"() ({
      %run_scoped3A = tpu.sem_alloc : memref<!tpu.dma_semaphore, #tpu.memory_space<semaphore_mem>>
      %dma_start3A = arith.constant 0 : i32
      %dma_start3A_41 = tpu.memref_slice %arg5[%add3A_22, %dma_start3A] : memref<20480x144xf32, #tpu.memory_space<hbm>> -> memref<256x144xf32, #tpu.memory_space<hbm>>
      %dma_start3A_42 = arith.constant 0 : i32
      %dma_start3A_43 = tpu.memref_slice %arg5[%add3A_22, %dma_start3A_42] : memref<20480x144xf32, #tpu.memory_space<hbm>> -> memref<256x144xf32, #tpu.memory_space<hbm>>
      tpu.enqueue_dma source(%arg7 : memref<256x144xf32, #tpu.memory_space<vmem>>) target(%dma_start3A_43 : memref<256x144xf32, #tpu.memory_space<hbm>>) target_semaphore(%run_scoped3A : memref<!tpu.dma_semaphore, #tpu.memory_space<semaphore_mem>>)
      %dma_wait3A = arith.constant 0 : i32
      %dma_wait3A_44 = tpu.memref_slice %arg5[%add3A_22, %dma_wait3A] : memref<20480x144xf32, #tpu.memory_space<hbm>> -> memref<256x144xf32, #tpu.memory_space<hbm>>
      %dma_wait3A_45 = arith.constant 0 : i32
      %dma_wait3A_46 = tpu.memref_slice %arg5[%add3A_22, %dma_wait3A_45] : memref<20480x144xf32, #tpu.memory_space<hbm>> -> memref<256x144xf32, #tpu.memory_space<hbm>>
      tpu.wait_dma2 semaphore(%run_scoped3A : memref<!tpu.dma_semaphore, #tpu.memory_space<semaphore_mem>>) src(%arg7 : memref<256x144xf32, #tpu.memory_space<vmem>>) dst(%dma_wait3A_46 : memref<256x144xf32, #tpu.memory_space<hbm>>)
      tpu.yield
    }) : () -> ()
    %add3A_23 = arith.constant 256 : i32
    %add3A_24 = arith.addi %mul3A_2, %add3A_23 : i32
    "tpu.region"() ({
      %run_scoped3A = tpu.sem_alloc : memref<!tpu.dma_semaphore, #tpu.memory_space<semaphore_mem>>
      %dma_start3A = arith.constant 0 : i32
      %dma_start3A_41 = tpu.memref_slice %arg8[%add3A_24, %dma_start3A] : memref<10240x144xf32, #tpu.memory_space<vmem_shared>> -> memref<256x144xf32, #tpu.memory_space<vmem_shared>>
      %dma_start3A_42 = arith.constant 0 : i32
      %dma_start3A_43 = tpu.memref_slice %arg8[%add3A_24, %dma_start3A_42] : memref<10240x144xf32, #tpu.memory_space<vmem_shared>> -> memref<256x144xf32, #tpu.memory_space<vmem_shared>>
      tpu.enqueue_dma source(%dma_start3A_43 : memref<256x144xf32, #tpu.memory_space<vmem_shared>>) target(%arg7 : memref<256x144xf32, #tpu.memory_space<vmem>>) target_semaphore(%run_scoped3A : memref<!tpu.dma_semaphore, #tpu.memory_space<semaphore_mem>>)
      %dma_wait3A = arith.constant 0 : i32
      %dma_wait3A_44 = tpu.memref_slice %arg8[%add3A_24, %dma_wait3A] : memref<10240x144xf32, #tpu.memory_space<vmem_shared>> -> memref<256x144xf32, #tpu.memory_space<vmem_shared>>
      %dma_wait3A_45 = arith.constant 0 : i32
      %dma_wait3A_46 = tpu.memref_slice %arg8[%add3A_24, %dma_wait3A_45] : memref<10240x144xf32, #tpu.memory_space<vmem_shared>> -> memref<256x144xf32, #tpu.memory_space<vmem_shared>>
      tpu.wait_dma2 semaphore(%run_scoped3A : memref<!tpu.dma_semaphore, #tpu.memory_space<semaphore_mem>>) src(%dma_wait3A_46 : memref<256x144xf32, #tpu.memory_space<vmem_shared>>) dst(%arg7 : memref<256x144xf32, #tpu.memory_space<vmem>>)
      tpu.yield
    }) : () -> ()
    %mul3A_25 = arith.constant 10240 : i32
    %mul3A_26 = arith.muli %arg0, %mul3A_25 : i32
    %add3A_27 = arith.addi %mul3A_26, %mul3A_2 : i32
    %add3A_28 = arith.constant 256 : i32
    %add3A_29 = arith.addi %add3A_27, %add3A_28 : i32
    "tpu.region"() ({
      %run_scoped3A = tpu.sem_alloc : memref<!tpu.dma_semaphore, #tpu.memory_space<semaphore_mem>>
      %dma_start3A = arith.constant 0 : i32
      %dma_start3A_41 = tpu.memref_slice %arg5[%add3A_29, %dma_start3A] : memref<20480x144xf32, #tpu.memory_space<hbm>> -> memref<256x144xf32, #tpu.memory_space<hbm>>
      %dma_start3A_42 = arith.constant 0 : i32
      %dma_start3A_43 = tpu.memref_slice %arg5[%add3A_29, %dma_start3A_42] : memref<20480x144xf32, #tpu.memory_space<hbm>> -> memref<256x144xf32, #tpu.memory_space<hbm>>
      tpu.enqueue_dma source(%arg7 : memref<256x144xf32, #tpu.memory_space<vmem>>) target(%dma_start3A_43 : memref<256x144xf32, #tpu.memory_space<hbm>>) target_semaphore(%run_scoped3A : memref<!tpu.dma_semaphore, #tpu.memory_space<semaphore_mem>>)
      %dma_wait3A = arith.constant 0 : i32
      %dma_wait3A_44 = tpu.memref_slice %arg5[%add3A_29, %dma_wait3A] : memref<20480x144xf32, #tpu.memory_space<hbm>> -> memref<256x144xf32, #tpu.memory_space<hbm>>
      %dma_wait3A_45 = arith.constant 0 : i32
      %dma_wait3A_46 = tpu.memref_slice %arg5[%add3A_29, %dma_wait3A_45] : memref<20480x144xf32, #tpu.memory_space<hbm>> -> memref<256x144xf32, #tpu.memory_space<hbm>>
      tpu.wait_dma2 semaphore(%run_scoped3A : memref<!tpu.dma_semaphore, #tpu.memory_space<semaphore_mem>>) src(%arg7 : memref<256x144xf32, #tpu.memory_space<vmem>>) dst(%dma_wait3A_46 : memref<256x144xf32, #tpu.memory_space<hbm>>)
      tpu.yield
    }) : () -> ()
    %add3A_30 = arith.constant 640 : i32
    %add3A_31 = arith.addi %mul3A_2, %add3A_30 : i32
    %sub3A_32 = arith.constant 128 : i32
    %sub3A_33 = arith.subi %add3A_31, %sub3A_32 : i32
    "tpu.region"() ({
      %run_scoped3A = tpu.sem_alloc : memref<!tpu.dma_semaphore, #tpu.memory_space<semaphore_mem>>
      %dma_start3A = arith.constant 0 : i32
      %dma_start3A_41 = arith.constant 0 : i32
      %dma_start3A_42 = tpu.memref_slice %arg7[%dma_start3A, %dma_start3A_41] : memref<256x144xf32, #tpu.memory_space<vmem>> -> memref<128x144xf32, #tpu.memory_space<vmem>>
      %dma_start3A_43 = arith.constant 0 : i32
      %dma_start3A_44 = tpu.memref_slice %arg8[%sub3A_33, %dma_start3A_43] : memref<10240x144xf32, #tpu.memory_space<vmem_shared>> -> memref<128x144xf32, #tpu.memory_space<vmem_shared>>
      %dma_start3A_45 = arith.constant 0 : i32
      %dma_start3A_46 = arith.constant 0 : i32
      %dma_start3A_47 = tpu.memref_slice %arg7[%dma_start3A_45, %dma_start3A_46] : memref<256x144xf32, #tpu.memory_space<vmem>> -> memref<128x144xf32, #tpu.memory_space<vmem>>
      %dma_start3A_48 = arith.constant 0 : i32
      %dma_start3A_49 = tpu.memref_slice %arg8[%sub3A_33, %dma_start3A_48] : memref<10240x144xf32, #tpu.memory_space<vmem_shared>> -> memref<128x144xf32, #tpu.memory_space<vmem_shared>>
      tpu.enqueue_dma source(%dma_start3A_49 : memref<128x144xf32, #tpu.memory_space<vmem_shared>>) target(%dma_start3A_47 : memref<128x144xf32, #tpu.memory_space<vmem>>) target_semaphore(%run_scoped3A : memref<!tpu.dma_semaphore, #tpu.memory_space<semaphore_mem>>)
      %dma_wait3A = arith.constant 0 : i32
      %dma_wait3A_50 = arith.constant 0 : i32
      %dma_wait3A_51 = tpu.memref_slice %arg7[%dma_wait3A, %dma_wait3A_50] : memref<256x144xf32, #tpu.memory_space<vmem>> -> memref<128x144xf32, #tpu.memory_space<vmem>>
      %dma_wait3A_52 = arith.constant 0 : i32
      %dma_wait3A_53 = tpu.memref_slice %arg8[%sub3A_33, %dma_wait3A_52] : memref<10240x144xf32, #tpu.memory_space<vmem_shared>> -> memref<128x144xf32, #tpu.memory_space<vmem_shared>>
      %dma_wait3A_54 = arith.constant 0 : i32
      %dma_wait3A_55 = arith.constant 0 : i32
      %dma_wait3A_56 = tpu.memref_slice %arg7[%dma_wait3A_54, %dma_wait3A_55] : memref<256x144xf32, #tpu.memory_space<vmem>> -> memref<128x144xf32, #tpu.memory_space<vmem>>
      %dma_wait3A_57 = arith.constant 0 : i32
      %dma_wait3A_58 = tpu.memref_slice %arg8[%sub3A_33, %dma_wait3A_57] : memref<10240x144xf32, #tpu.memory_space<vmem_shared>> -> memref<128x144xf32, #tpu.memory_space<vmem_shared>>
      tpu.wait_dma2 semaphore(%run_scoped3A : memref<!tpu.dma_semaphore, #tpu.memory_space<semaphore_mem>>) src(%dma_wait3A_58 : memref<128x144xf32, #tpu.memory_space<vmem_shared>>) dst(%dma_wait3A_56 : memref<128x144xf32, #tpu.memory_space<vmem>>)
      tpu.yield
    }) : () -> ()
    %mul3A_34 = arith.constant 10240 : i32
    %mul3A_35 = arith.muli %arg0, %mul3A_34 : i32
    %add3A_36 = arith.addi %mul3A_35, %mul3A_2 : i32
    %add3A_37 = arith.constant 640 : i32
    %add3A_38 = arith.addi %add3A_36, %add3A_37 : i32
    %sub3A_39 = arith.constant 128 : i32
    %sub3A_40 = arith.subi %add3A_38, %sub3A_39 : i32
    "tpu.region"() ({
      %run_scoped3A = tpu.sem_alloc : memref<!tpu.dma_semaphore, #tpu.memory_space<semaphore_mem>>
      %dma_start3A = arith.constant 0 : i32
      %dma_start3A_41 = arith.constant 0 : i32
      %dma_start3A_42 = tpu.memref_slice %arg7[%dma_start3A, %dma_start3A_41] : memref<256x144xf32, #tpu.memory_space<vmem>> -> memref<128x144xf32, #tpu.memory_space<vmem>>
      %dma_start3A_43 = arith.constant 0 : i32
      %dma_start3A_44 = tpu.memref_slice %arg5[%sub3A_40, %dma_start3A_43] : memref<20480x144xf32, #tpu.memory_space<hbm>> -> memref<128x144xf32, #tpu.memory_space<hbm>>
      %dma_start3A_45 = arith.constant 0 : i32
      %dma_start3A_46 = tpu.memref_slice %arg5[%sub3A_40, %dma_start3A_45] : memref<20480x144xf32, #tpu.memory_space<hbm>> -> memref<128x144xf32, #tpu.memory_space<hbm>>
      %dma_start3A_47 = arith.constant 0 : i32
      %dma_start3A_48 = arith.constant 0 : i32
      %dma_start3A_49 = tpu.memref_slice %arg7[%dma_start3A_47, %dma_start3A_48] : memref<256x144xf32, #tpu.memory_space<vmem>> -> memref<128x144xf32, #tpu.memory_space<vmem>>
      tpu.enqueue_dma source(%dma_start3A_49 : memref<128x144xf32, #tpu.memory_space<vmem>>) target(%dma_start3A_46 : memref<128x144xf32, #tpu.memory_space<hbm>>) target_semaphore(%run_scoped3A : memref<!tpu.dma_semaphore, #tpu.memory_space<semaphore_mem>>)
      %dma_wait3A = arith.constant 0 : i32
      %dma_wait3A_50 = arith.constant 0 : i32
      %dma_wait3A_51 = tpu.memref_slice %arg7[%dma_wait3A, %dma_wait3A_50] : memref<256x144xf32, #tpu.memory_space<vmem>> -> memref<128x144xf32, #tpu.memory_space<vmem>>
      %dma_wait3A_52 = arith.constant 0 : i32
      %dma_wait3A_53 = tpu.memref_slice %arg5[%sub3A_40, %dma_wait3A_52] : memref<20480x144xf32, #tpu.memory_space<hbm>> -> memref<128x144xf32, #tpu.memory_space<hbm>>
      %dma_wait3A_54 = arith.constant 0 : i32
      %dma_wait3A_55 = tpu.memref_slice %arg5[%sub3A_40, %dma_wait3A_54] : memref<20480x144xf32, #tpu.memory_space<hbm>> -> memref<128x144xf32, #tpu.memory_space<hbm>>
      %dma_wait3A_56 = arith.constant 0 : i32
      %dma_wait3A_57 = arith.constant 0 : i32
      %dma_wait3A_58 = tpu.memref_slice %arg7[%dma_wait3A_56, %dma_wait3A_57] : memref<256x144xf32, #tpu.memory_space<vmem>> -> memref<128x144xf32, #tpu.memory_space<vmem>>
      tpu.wait_dma2 semaphore(%run_scoped3A : memref<!tpu.dma_semaphore, #tpu.memory_space<semaphore_mem>>) src(%dma_wait3A_58 : memref<128x144xf32, #tpu.memory_space<vmem>>) dst(%dma_wait3A_55 : memref<128x144xf32, #tpu.memory_space<hbm>>)
      tpu.yield
    }) : () -> ()
    return
  }
}

module attributes {stable_mosaic.version = 14 : i64} {
  func.func @_fc1_body(%arg0: i32, %arg1: memref<256x128xf32, #tpu.memory_space<vmem>>, %arg2: memref<128x64xf32, #tpu.memory_space<vmem>>, %arg3: memref<1x64xf32, #tpu.memory_space<vmem>>, %arg4: memref<1x64xf32, #tpu.memory_space<vmem>>, %arg5: memref<1x64xf32, #tpu.memory_space<vmem>>, %arg6: memref<64x64xf32, #tpu.memory_space<vmem>>, %arg7: memref<1x64xf32, #tpu.memory_space<vmem>>, %arg8: memref<1x64xf32, #tpu.memory_space<vmem>>, %arg9: memref<1x64xf32, #tpu.memory_space<vmem>>, %arg10: memref<64x128xf32, #tpu.memory_space<vmem>>, %arg11: memref<1x128xf32, #tpu.memory_space<vmem>>, %arg12: memref<1x128xf32, #tpu.memory_space<vmem>>, %arg13: memref<1x128xf32, #tpu.memory_space<vmem>>, %arg14: memref<256x144xf32, #tpu.memory_space<vmem>>) attributes {dimension_semantics = [#tpu.dimension_semantics<arbitrary>], iteration_bounds = array<i64: 40>, scalar_prefetch = 0 : i64, scratch_operands = 0 : i64, tpu.core_type = #tpu.core_type<tc>, window_params = [{transform_indices = @transform_0, window_bounds = array<i64: 256, 128>}, {pipeline_mode = #tpu.pipeline_mode<synchronous>, transform_indices = @transform_1, window_bounds = array<i64: 128, 64>}, {pipeline_mode = #tpu.pipeline_mode<synchronous>, transform_indices = @transform_2, window_bounds = array<i64: 1, 64>}, {pipeline_mode = #tpu.pipeline_mode<synchronous>, transform_indices = @transform_3, window_bounds = array<i64: 1, 64>}, {pipeline_mode = #tpu.pipeline_mode<synchronous>, transform_indices = @transform_4, window_bounds = array<i64: 1, 64>}, {pipeline_mode = #tpu.pipeline_mode<synchronous>, transform_indices = @transform_5, window_bounds = array<i64: 64, 64>}, {pipeline_mode = #tpu.pipeline_mode<synchronous>, transform_indices = @transform_6, window_bounds = array<i64: 1, 64>}, {pipeline_mode = #tpu.pipeline_mode<synchronous>, transform_indices = @transform_7, window_bounds = array<i64: 1, 64>}, {pipeline_mode = #tpu.pipeline_mode<synchronous>, transform_indices = @transform_8, window_bounds = array<i64: 1, 64>}, {pipeline_mode = #tpu.pipeline_mode<synchronous>, transform_indices = @transform_9, window_bounds = array<i64: 64, 128>}, {pipeline_mode = #tpu.pipeline_mode<synchronous>, transform_indices = @transform_10, window_bounds = array<i64: 1, 128>}, {pipeline_mode = #tpu.pipeline_mode<synchronous>, transform_indices = @transform_11, window_bounds = array<i64: 1, 128>}, {pipeline_mode = #tpu.pipeline_mode<synchronous>, transform_indices = @transform_12, window_bounds = array<i64: 1, 128>}, {transform_indices = @transform_13, window_bounds = array<i64: 256, 144>}]} {
    %get3A = arith.constant 0 : index
    %get3A_0 = arith.constant 0 : index
    %get3A_1 = vector.load %arg1[%get3A, %get3A_0] : memref<256x128xf32, #tpu.memory_space<vmem>>, vector<256x128xf32>
    %get3A_2 = arith.constant 0 : index
    %get3A_3 = arith.constant 0 : index
    %get3A_4 = vector.load %arg2[%get3A_2, %get3A_3] : memref<128x64xf32, #tpu.memory_space<vmem>>, vector<128x64xf32>
    %get3A_5 = arith.constant 0 : index
    %get3A_6 = arith.constant 0 : index
    %get3A_7 = vector.load %arg3[%get3A_5, %get3A_6] : memref<1x64xf32, #tpu.memory_space<vmem>>, vector<1x64xf32>
    %get3A_8 = arith.constant 0 : index
    %get3A_9 = arith.constant 0 : index
    %get3A_10 = vector.load %arg4[%get3A_8, %get3A_9] : memref<1x64xf32, #tpu.memory_space<vmem>>, vector<1x64xf32>
    %get3A_11 = arith.constant 0 : index
    %get3A_12 = arith.constant 0 : index
    %get3A_13 = vector.load %arg5[%get3A_11, %get3A_12] : memref<1x64xf32, #tpu.memory_space<vmem>>, vector<1x64xf32>
    %dot_general3A = arith.constant dense<0.000000e+00> : vector<256x64xf32>
    %dot_general3A_14 = tpu.matmul %get3A_1, %get3A_4, %dot_general3A {dimension_numbers = #tpu.dot_dimension_numbers<[1], [0], [0], [1], [0, 0, 1, 1], [], []>, transpose_lhs_hint = false} : vector<256x128xf32>, vector<128x64xf32>, vector<256x64xf32> -> vector<256x64xf32>
    %add3A = vector.broadcast %get3A_7 : vector<1x64xf32> to vector<256x64xf32>
    %add3A_15 = arith.addf %dot_general3A_14, %add3A : vector<256x64xf32>
    %max3A = arith.constant 0.000000e+00 : f32
    %max3A_16 = vector.broadcast %max3A : f32 to vector<256x64xf32>
    %max3A_17 = arith.maximumf %add3A_15, %max3A_16 : vector<256x64xf32>
    %mul3A = vector.broadcast %get3A_10 : vector<1x64xf32> to vector<256x64xf32>
    %mul3A_18 = arith.mulf %max3A_17, %mul3A : vector<256x64xf32>
    %add3A_19 = vector.broadcast %get3A_13 : vector<1x64xf32> to vector<256x64xf32>
    %add3A_20 = arith.addf %mul3A_18, %add3A_19 : vector<256x64xf32>
    %get3A_21 = arith.constant 0 : index
    %get3A_22 = arith.constant 0 : index
    %get3A_23 = vector.load %arg6[%get3A_21, %get3A_22] : memref<64x64xf32, #tpu.memory_space<vmem>>, vector<64x64xf32>
    %get3A_24 = arith.constant 0 : index
    %get3A_25 = arith.constant 0 : index
    %get3A_26 = vector.load %arg7[%get3A_24, %get3A_25] : memref<1x64xf32, #tpu.memory_space<vmem>>, vector<1x64xf32>
    %get3A_27 = arith.constant 0 : index
    %get3A_28 = arith.constant 0 : index
    %get3A_29 = vector.load %arg8[%get3A_27, %get3A_28] : memref<1x64xf32, #tpu.memory_space<vmem>>, vector<1x64xf32>
    %get3A_30 = arith.constant 0 : index
    %get3A_31 = arith.constant 0 : index
    %get3A_32 = vector.load %arg9[%get3A_30, %get3A_31] : memref<1x64xf32, #tpu.memory_space<vmem>>, vector<1x64xf32>
    %dot_general3A_33 = arith.constant dense<0.000000e+00> : vector<256x64xf32>
    %dot_general3A_34 = tpu.matmul %add3A_20, %get3A_23, %dot_general3A_33 {dimension_numbers = #tpu.dot_dimension_numbers<[1], [0], [0], [1], [0, 0, 1, 1], [], []>, transpose_lhs_hint = false} : vector<256x64xf32>, vector<64x64xf32>, vector<256x64xf32> -> vector<256x64xf32>
    %add3A_35 = vector.broadcast %get3A_26 : vector<1x64xf32> to vector<256x64xf32>
    %add3A_36 = arith.addf %dot_general3A_34, %add3A_35 : vector<256x64xf32>
    %max3A_37 = arith.constant 0.000000e+00 : f32
    %max3A_38 = vector.broadcast %max3A_37 : f32 to vector<256x64xf32>
    %max3A_39 = arith.maximumf %add3A_36, %max3A_38 : vector<256x64xf32>
    %mul3A_40 = vector.broadcast %get3A_29 : vector<1x64xf32> to vector<256x64xf32>
    %mul3A_41 = arith.mulf %max3A_39, %mul3A_40 : vector<256x64xf32>
    %add3A_42 = vector.broadcast %get3A_32 : vector<1x64xf32> to vector<256x64xf32>
    %add3A_43 = arith.addf %mul3A_41, %add3A_42 : vector<256x64xf32>
    %get3A_44 = arith.constant 0 : index
    %get3A_45 = arith.constant 0 : index
    %get3A_46 = vector.load %arg10[%get3A_44, %get3A_45] : memref<64x128xf32, #tpu.memory_space<vmem>>, vector<64x128xf32>
    %get3A_47 = arith.constant 0 : index
    %get3A_48 = arith.constant 0 : index
    %get3A_49 = vector.load %arg11[%get3A_47, %get3A_48] : memref<1x128xf32, #tpu.memory_space<vmem>>, vector<1x128xf32>
    %get3A_50 = arith.constant 0 : index
    %get3A_51 = arith.constant 0 : index
    %get3A_52 = vector.load %arg12[%get3A_50, %get3A_51] : memref<1x128xf32, #tpu.memory_space<vmem>>, vector<1x128xf32>
    %get3A_53 = arith.constant 0 : index
    %get3A_54 = arith.constant 0 : index
    %get3A_55 = vector.load %arg13[%get3A_53, %get3A_54] : memref<1x128xf32, #tpu.memory_space<vmem>>, vector<1x128xf32>
    %dot_general3A_56 = arith.constant dense<0.000000e+00> : vector<256x128xf32>
    %dot_general3A_57 = tpu.matmul %add3A_43, %get3A_46, %dot_general3A_56 {dimension_numbers = #tpu.dot_dimension_numbers<[1], [0], [0], [1], [0, 0, 1, 1], [], []>, transpose_lhs_hint = false} : vector<256x64xf32>, vector<64x128xf32>, vector<256x128xf32> -> vector<256x128xf32>
    %add3A_58 = vector.broadcast %get3A_49 : vector<1x128xf32> to vector<256x128xf32>
    %add3A_59 = arith.addf %dot_general3A_57, %add3A_58 : vector<256x128xf32>
    %max3A_60 = arith.constant 0.000000e+00 : f32
    %max3A_61 = vector.broadcast %max3A_60 : f32 to vector<256x128xf32>
    %max3A_62 = arith.maximumf %add3A_59, %max3A_61 : vector<256x128xf32>
    %mul3A_63 = vector.broadcast %get3A_52 : vector<1x128xf32> to vector<256x128xf32>
    %mul3A_64 = arith.mulf %max3A_62, %mul3A_63 : vector<256x128xf32>
    %add3A_65 = vector.broadcast %get3A_55 : vector<1x128xf32> to vector<256x128xf32>
    %add3A_66 = arith.addf %mul3A_64, %add3A_65 : vector<256x128xf32>
    %iota3A = tpu.iota {dimensions = array<i32: 1>} : vector<256x16xi32>
    %eq3A = arith.constant 0 : i32
    %eq3A_67 = vector.broadcast %eq3A : i32 to vector<256x16xi32>
    %eq3A_68 = arith.cmpi eq, %iota3A, %eq3A_67 : vector<256x16xi32>
    %jit3A = arith.constant 1.000000e+00 : f32
    %jit3A_69 = arith.constant 0.000000e+00 : f32
    %broadcast_in_dim3A = vector.broadcast %jit3A : f32 to vector<256x16xf32>
    %broadcast_in_dim3A_70 = vector.broadcast %jit3A_69 : f32 to vector<256x16xf32>
    %select_n3A = arith.select %eq3A_68, %broadcast_in_dim3A, %broadcast_in_dim3A_70 : vector<256x16xi1>, vector<256x16xf32>
    %concatenate3A = tpu.concatenate %add3A_66, %select_n3A in 1 : vector<256x128xf32>, vector<256x16xf32> -> vector<256x144xf32>
    %swap3A = arith.constant 0 : index
    %swap3A_71 = arith.constant 0 : index
    %swap3A_72 = vector.load %arg14[%swap3A, %swap3A_71] : memref<256x144xf32, #tpu.memory_space<vmem>>, vector<256x144xf32>
    tpu.vector_store %arg14[%swap3A, %swap3A_71], %concatenate3A {strides = array<i32>} : memref<256x144xf32, #tpu.memory_space<vmem>>, vector<256x144xf32>,
    return
  }
  func.func @transform_0(%arg0: i32) -> (i32, i32) {
    %c0_i32 = arith.constant 0 : i32
    %c0_i32_0 = arith.constant 0 : i32
    return %arg0, %c0_i32 : i32, i32
  }
  func.func @transform_1(%arg0: i32) -> (i32, i32) {
    %c0_i32 = arith.constant 0 : i32
    %c0_i32_0 = arith.constant 0 : i32
    %c0_i32_1 = arith.constant 0 : i32
    return %c0_i32, %c0_i32_0 : i32, i32
  }
  func.func @transform_2(%arg0: i32) -> (i32, i32) {
    %c0_i32 = arith.constant 0 : i32
    %c0_i32_0 = arith.constant 0 : i32
    %c0_i32_1 = arith.constant 0 : i32
    return %c0_i32, %c0_i32_0 : i32, i32
  }
  func.func @transform_3(%arg0: i32) -> (i32, i32) {
    %c0_i32 = arith.constant 0 : i32
    %c0_i32_0 = arith.constant 0 : i32
    %c0_i32_1 = arith.constant 0 : i32
    return %c0_i32, %c0_i32_0 : i32, i32
  }
  func.func @transform_4(%arg0: i32) -> (i32, i32) {
    %c0_i32 = arith.constant 0 : i32
    %c0_i32_0 = arith.constant 0 : i32
    %c0_i32_1 = arith.constant 0 : i32
    return %c0_i32, %c0_i32_0 : i32, i32
  }
  func.func @transform_5(%arg0: i32) -> (i32, i32) {
    %c0_i32 = arith.constant 0 : i32
    %c0_i32_0 = arith.constant 0 : i32
    %c0_i32_1 = arith.constant 0 : i32
    return %c0_i32, %c0_i32_0 : i32, i32
  }
  func.func @transform_6(%arg0: i32) -> (i32, i32) {
    %c0_i32 = arith.constant 0 : i32
    %c0_i32_0 = arith.constant 0 : i32
    %c0_i32_1 = arith.constant 0 : i32
    return %c0_i32, %c0_i32_0 : i32, i32
  }
  func.func @transform_7(%arg0: i32) -> (i32, i32) {
    %c0_i32 = arith.constant 0 : i32
    %c0_i32_0 = arith.constant 0 : i32
    %c0_i32_1 = arith.constant 0 : i32
    return %c0_i32, %c0_i32_0 : i32, i32
  }
  func.func @transform_8(%arg0: i32) -> (i32, i32) {
    %c0_i32 = arith.constant 0 : i32
    %c0_i32_0 = arith.constant 0 : i32
    %c0_i32_1 = arith.constant 0 : i32
    return %c0_i32, %c0_i32_0 : i32, i32
  }
  func.func @transform_9(%arg0: i32) -> (i32, i32) {
    %c0_i32 = arith.constant 0 : i32
    %c0_i32_0 = arith.constant 0 : i32
    %c0_i32_1 = arith.constant 0 : i32
    return %c0_i32, %c0_i32_0 : i32, i32
  }
  func.func @transform_10(%arg0: i32) -> (i32, i32) {
    %c0_i32 = arith.constant 0 : i32
    %c0_i32_0 = arith.constant 0 : i32
    %c0_i32_1 = arith.constant 0 : i32
    return %c0_i32, %c0_i32_0 : i32, i32
  }
  func.func @transform_11(%arg0: i32) -> (i32, i32) {
    %c0_i32 = arith.constant 0 : i32
    %c0_i32_0 = arith.constant 0 : i32
    %c0_i32_1 = arith.constant 0 : i32
    return %c0_i32, %c0_i32_0 : i32, i32
  }
  func.func @transform_12(%arg0: i32) -> (i32, i32) {
    %c0_i32 = arith.constant 0 : i32
    %c0_i32_0 = arith.constant 0 : i32
    %c0_i32_1 = arith.constant 0 : i32
    return %c0_i32, %c0_i32_0 : i32, i32
  }
  func.func @transform_13(%arg0: i32) -> (i32, i32) {
    %c0_i32 = arith.constant 0 : i32
    %c0_i32_0 = arith.constant 0 : i32
    return %arg0, %c0_i32 : i32, i32
  }
}

module attributes {stable_mosaic.version = 14 : i64} {
  func.func @_big_body(%arg0: i32, %arg1: memref<2x256x144xf32, #tpu.memory_space<vmem>>, %arg2: memref<256x128xf32, #tpu.memory_space<vmem>>, %arg3: memref<256x128xf32, #tpu.memory_space<vmem>>, %arg4: memref<128x128xf32, #tpu.memory_space<vmem>>, %arg5: memref<1x128xf32, #tpu.memory_space<vmem>>, %arg6: memref<1x128xf32, #tpu.memory_space<vmem>>, %arg7: memref<1x128xf32, #tpu.memory_space<vmem>>, %arg8: memref<128x128xf32, #tpu.memory_space<vmem>>, %arg9: memref<1x128xf32, #tpu.memory_space<vmem>>, %arg10: memref<1x128xf32, #tpu.memory_space<vmem>>, %arg11: memref<1x128xf32, #tpu.memory_space<vmem>>, %arg12: memref<128x256xf32, #tpu.memory_space<vmem>>, %arg13: memref<1x256xf32, #tpu.memory_space<vmem>>, %arg14: memref<1x256xf32, #tpu.memory_space<vmem>>, %arg15: memref<1x256xf32, #tpu.memory_space<vmem>>, %arg16: memref<256x256xf32, #tpu.memory_space<vmem>>, %arg17: memref<128x256xf32, #tpu.memory_space<vmem>>, %arg18: memref<1x256xf32, #tpu.memory_space<vmem>>, %arg19: memref<1x256xf32, #tpu.memory_space<vmem>>, %arg20: memref<1x256xf32, #tpu.memory_space<vmem>>, %arg21: memref<256x512xf32, #tpu.memory_space<vmem>>, %arg22: memref<1x512xf32, #tpu.memory_space<vmem>>, %arg23: memref<1x512xf32, #tpu.memory_space<vmem>>, %arg24: memref<1x512xf32, #tpu.memory_space<vmem>>, %arg25: memref<512x1024xf32, #tpu.memory_space<vmem>>, %arg26: memref<1x1024xf32, #tpu.memory_space<vmem>>, %arg27: memref<1x1024xf32, #tpu.memory_space<vmem>>, %arg28: memref<1x1024xf32, #tpu.memory_space<vmem>>, %arg29: memref<8x1024xf32, #tpu.memory_space<vmem>>) attributes {dimension_semantics = [#tpu.dimension_semantics<arbitrary>], iteration_bounds = array<i64: 40>, scalar_prefetch = 0 : i64, scratch_operands = 0 : i64, tpu.core_type = #tpu.core_type<tc>, window_params = [{transform_indices = @transform_0, window_bounds = array<i64: 2, 256, 144>}, {transform_indices = @transform_1, window_bounds = array<i64: 256, 128>}, {transform_indices = @transform_2, window_bounds = array<i64: 256, 128>}, {pipeline_mode = #tpu.pipeline_mode<synchronous>, transform_indices = @transform_3, window_bounds = array<i64: 128, 128>}, {pipeline_mode = #tpu.pipeline_mode<synchronous>, transform_indices = @transform_4, window_bounds = array<i64: 1, 128>}, {pipeline_mode = #tpu.pipeline_mode<synchronous>, transform_indices = @transform_5, window_bounds = array<i64: 1, 128>}, {pipeline_mode = #tpu.pipeline_mode<synchronous>, transform_indices = @transform_6, window_bounds = array<i64: 1, 128>}, {pipeline_mode = #tpu.pipeline_mode<synchronous>, transform_indices = @transform_7, window_bounds = array<i64: 128, 128>}, {pipeline_mode = #tpu.pipeline_mode<synchronous>, transform_indices = @transform_8, window_bounds = array<i64: 1, 128>}, {pipeline_mode = #tpu.pipeline_mode<synchronous>, transform_indices = @transform_9, window_bounds = array<i64: 1, 128>}, {pipeline_mode = #tpu.pipeline_mode<synchronous>, transform_indices = @transform_10, window_bounds = array<i64: 1, 128>}, {pipeline_mode = #tpu.pipeline_mode<synchronous>, transform_indices = @transform_11, window_bounds = array<i64: 128, 256>}, {pipeline_mode = #tpu.pipeline_mode<synchronous>, transform_indices = @transform_12, window_bounds = array<i64: 1, 256>}, {pipeline_mode = #tpu.pipeline_mode<synchronous>, transform_indices = @transform_13, window_bounds = array<i64: 1, 256>}, {pipeline_mode = #tpu.pipeline_mode<synchronous>, transform_indices = @transform_14, window_bounds = array<i64: 1, 256>}, {pipeline_mode = #tpu.pipeline_mode<synchronous>, transform_indices = @transform_15, window_bounds = array<i64: 256, 256>}, {pipeline_mode = #tpu.pipeline_mode<synchronous>, transform_indices = @transform_16, window_bounds = array<i64: 128, 256>}, {pipeline_mode = #tpu.pipeline_mode<synchronous>, transform_indices = @transform_17, window_bounds = array<i64: 1, 256>}, {pipeline_mode = #tpu.pipeline_mode<synchronous>, transform_indices = @transform_18, window_bounds = array<i64: 1, 256>}, {pipeline_mode = #tpu.pipeline_mode<synchronous>, transform_indices = @transform_19, window_bounds = array<i64: 1, 256>}, {pipeline_mode = #tpu.pipeline_mode<synchronous>, transform_indices = @transform_20, window_bounds = array<i64: 256, 512>}, {pipeline_mode = #tpu.pipeline_mode<synchronous>, transform_indices = @transform_21, window_bounds = array<i64: 1, 512>}, {pipeline_mode = #tpu.pipeline_mode<synchronous>, transform_indices = @transform_22, window_bounds = array<i64: 1, 512>}, {pipeline_mode = #tpu.pipeline_mode<synchronous>, transform_indices = @transform_23, window_bounds = array<i64: 1, 512>}, {pipeline_mode = #tpu.pipeline_mode<synchronous>, transform_indices = @transform_24, window_bounds = array<i64: 512, 1024>}, {pipeline_mode = #tpu.pipeline_mode<synchronous>, transform_indices = @transform_25, window_bounds = array<i64: 1, 1024>}, {pipeline_mode = #tpu.pipeline_mode<synchronous>, transform_indices = @transform_26, window_bounds = array<i64: 1, 1024>}, {pipeline_mode = #tpu.pipeline_mode<synchronous>, transform_indices = @transform_27, window_bounds = array<i64: 1, 1024>}, {pipeline_mode = #tpu.pipeline_mode<synchronous>, transform_indices = @transform_28, window_bounds = array<i64: 8, 1024>}]} {
    %get3A = arith.constant 0 : index
    %get3A_0 = arith.constant 0 : index
    %get3A_1 = arith.constant 0 : index
    %get3A_2 = vector.load %arg1[%get3A, %get3A_0, %get3A_1] : memref<2x256x144xf32, #tpu.memory_space<vmem>>, vector<1x256x144xf32>
    %get3A_3 = vector.shape_cast %get3A_2 : vector<1x256x144xf32> to vector<256x144xf32>
    %get3A_4 = arith.constant 1 : index
    %get3A_5 = arith.constant 0 : index
    %get3A_6 = arith.constant 0 : index
    %get3A_7 = vector.load %arg1[%get3A_4, %get3A_5, %get3A_6] : memref<2x256x144xf32, #tpu.memory_space<vmem>>, vector<1x256x144xf32>
    %get3A_8 = vector.shape_cast %get3A_7 : vector<1x256x144xf32> to vector<256x144xf32>
    %add3A = arith.addf %get3A_3, %get3A_8 : vector<256x144xf32>
    %slice3A = vector.extract_strided_slice %add3A {offsets = [0, 128], sizes = [256, 1], strides = [1, 1]} : vector<256x144xf32> to vector<256x1xf32>
    %slice3A_9 = vector.extract_strided_slice %add3A {offsets = [0, 0], sizes = [256, 128], strides = [1, 1]} : vector<256x144xf32> to vector<256x128xf32>
    %max3A = arith.constant 1.000000e+00 : f32
    %max3A_10 = vector.broadcast %max3A : f32 to vector<256x1xf32>
    %max3A_11 = arith.maximumf %slice3A, %max3A_10 : vector<256x1xf32>
    %div3A = vector.broadcast %max3A_11 : vector<256x1xf32> to vector<256x128xf32>
    %div3A_12 = arith.divf %slice3A_9, %div3A : vector<256x128xf32>
    %get3A_13 = arith.constant 0 : index
    %get3A_14 = arith.constant 0 : index
    %get3A_15 = vector.load %arg4[%get3A_13, %get3A_14] : memref<128x128xf32, #tpu.memory_space<vmem>>, vector<128x128xf32>
    %get3A_16 = arith.constant 0 : index
    %get3A_17 = arith.constant 0 : index
    %get3A_18 = vector.load %arg5[%get3A_16, %get3A_17] : memref<1x128xf32, #tpu.memory_space<vmem>>, vector<1x128xf32>
    %get3A_19 = arith.constant 0 : index
    %get3A_20 = arith.constant 0 : index
    %get3A_21 = vector.load %arg6[%get3A_19, %get3A_20] : memref<1x128xf32, #tpu.memory_space<vmem>>, vector<1x128xf32>
    %get3A_22 = arith.constant 0 : index
    %get3A_23 = arith.constant 0 : index
    %get3A_24 = vector.load %arg7[%get3A_22, %get3A_23] : memref<1x128xf32, #tpu.memory_space<vmem>>, vector<1x128xf32>
    %dot_general3A = arith.constant dense<0.000000e+00> : vector<256x128xf32>
    %dot_general3A_25 = tpu.matmul %div3A_12, %get3A_15, %dot_general3A {dimension_numbers = #tpu.dot_dimension_numbers<[1], [0], [0], [1], [0, 0, 1, 1], [], []>, transpose_lhs_hint = false} : vector<256x128xf32>, vector<128x128xf32>, vector<256x128xf32> -> vector<256x128xf32>
    %add3A_26 = vector.broadcast %get3A_18 : vector<1x128xf32> to vector<256x128xf32>
    %add3A_27 = arith.addf %dot_general3A_25, %add3A_26 : vector<256x128xf32>
    %max3A_28 = arith.constant 0.000000e+00 : f32
    %max3A_29 = vector.broadcast %max3A_28 : f32 to vector<256x128xf32>
    %max3A_30 = arith.maximumf %add3A_27, %max3A_29 : vector<256x128xf32>
    %mul3A = vector.broadcast %get3A_21 : vector<1x128xf32> to vector<256x128xf32>
    %mul3A_31 = arith.mulf %max3A_30, %mul3A : vector<256x128xf32>
    %add3A_32 = vector.broadcast %get3A_24 : vector<1x128xf32> to vector<256x128xf32>
    %add3A_33 = arith.addf %mul3A_31, %add3A_32 : vector<256x128xf32>
    %get3A_34 = arith.constant 0 : index
    %get3A_35 = arith.constant 0 : index
    %get3A_36 = vector.load %arg8[%get3A_34, %get3A_35] : memref<128x128xf32, #tpu.memory_space<vmem>>, vector<128x128xf32>
    %get3A_37 = arith.constant 0 : index
    %get3A_38 = arith.constant 0 : index
    %get3A_39 = vector.load %arg9[%get3A_37, %get3A_38] : memref<1x128xf32, #tpu.memory_space<vmem>>, vector<1x128xf32>
    %get3A_40 = arith.constant 0 : index
    %get3A_41 = arith.constant 0 : index
    %get3A_42 = vector.load %arg10[%get3A_40, %get3A_41] : memref<1x128xf32, #tpu.memory_space<vmem>>, vector<1x128xf32>
    %get3A_43 = arith.constant 0 : index
    %get3A_44 = arith.constant 0 : index
    %get3A_45 = vector.load %arg11[%get3A_43, %get3A_44] : memref<1x128xf32, #tpu.memory_space<vmem>>, vector<1x128xf32>
    %dot_general3A_46 = arith.constant dense<0.000000e+00> : vector<256x128xf32>
    %dot_general3A_47 = tpu.matmul %add3A_33, %get3A_36, %dot_general3A_46 {dimension_numbers = #tpu.dot_dimension_numbers<[1], [0], [0], [1], [0, 0, 1, 1], [], []>, transpose_lhs_hint = false} : vector<256x128xf32>, vector<128x128xf32>, vector<256x128xf32> -> vector<256x128xf32>
    %add3A_48 = vector.broadcast %get3A_39 : vector<1x128xf32> to vector<256x128xf32>
    %add3A_49 = arith.addf %dot_general3A_47, %add3A_48 : vector<256x128xf32>
    %max3A_50 = arith.constant 0.000000e+00 : f32
    %max3A_51 = vector.broadcast %max3A_50 : f32 to vector<256x128xf32>
    %max3A_52 = arith.maximumf %add3A_49, %max3A_51 : vector<256x128xf32>
    %mul3A_53 = vector.broadcast %get3A_42 : vector<1x128xf32> to vector<256x128xf32>
    %mul3A_54 = arith.mulf %max3A_52, %mul3A_53 : vector<256x128xf32>
    %add3A_55 = vector.broadcast %get3A_45 : vector<1x128xf32> to vector<256x128xf32>
    %add3A_56 = arith.addf %mul3A_54, %add3A_55 : vector<256x128xf32>
    %get3A_57 = arith.constant 0 : index
    %get3A_58 = arith.constant 0 : index
    %get3A_59 = vector.load %arg12[%get3A_57, %get3A_58] : memref<128x256xf32, #tpu.memory_space<vmem>>, vector<128x256xf32>
    %get3A_60 = arith.constant 0 : index
    %get3A_61 = arith.constant 0 : index
    %get3A_62 = vector.load %arg13[%get3A_60, %get3A_61] : memref<1x256xf32, #tpu.memory_space<vmem>>, vector<1x256xf32>
    %get3A_63 = arith.constant 0 : index
    %get3A_64 = arith.constant 0 : index
    %get3A_65 = vector.load %arg14[%get3A_63, %get3A_64] : memref<1x256xf32, #tpu.memory_space<vmem>>, vector<1x256xf32>
    %get3A_66 = arith.constant 0 : index
    %get3A_67 = arith.constant 0 : index
    %get3A_68 = vector.load %arg15[%get3A_66, %get3A_67] : memref<1x256xf32, #tpu.memory_space<vmem>>, vector<1x256xf32>
    %dot_general3A_69 = arith.constant dense<0.000000e+00> : vector<256x256xf32>
    %dot_general3A_70 = tpu.matmul %add3A_56, %get3A_59, %dot_general3A_69 {dimension_numbers = #tpu.dot_dimension_numbers<[1], [0], [0], [1], [0, 0, 1, 1], [], []>, transpose_lhs_hint = false} : vector<256x128xf32>, vector<128x256xf32>, vector<256x256xf32> -> vector<256x256xf32>
    %add3A_71 = vector.broadcast %get3A_62 : vector<1x256xf32> to vector<256x256xf32>
    %add3A_72 = arith.addf %dot_general3A_70, %add3A_71 : vector<256x256xf32>
    %max3A_73 = arith.constant 0.000000e+00 : f32
    %max3A_74 = vector.broadcast %max3A_73 : f32 to vector<256x256xf32>
    %max3A_75 = arith.maximumf %add3A_72, %max3A_74 : vector<256x256xf32>
    %mul3A_76 = vector.broadcast %get3A_65 : vector<1x256xf32> to vector<256x256xf32>
    %mul3A_77 = arith.mulf %max3A_75, %mul3A_76 : vector<256x256xf32>
    %add3A_78 = vector.broadcast %get3A_68 : vector<1x256xf32> to vector<256x256xf32>
    %add3A_79 = arith.addf %mul3A_77, %add3A_78 : vector<256x256xf32>
    %get3A_80 = arith.constant 0 : index
    %get3A_81 = arith.constant 0 : index
    %get3A_82 = vector.load %arg16[%get3A_80, %get3A_81] : memref<256x256xf32, #tpu.memory_space<vmem>>, vector<256x256xf32>
    %dot_general3A_83 = arith.constant dense<0.000000e+00> : vector<256x256xf32>
    %dot_general3A_84 = tpu.matmul %add3A_79, %get3A_82, %dot_general3A_83 {dimension_numbers = #tpu.dot_dimension_numbers<[1], [0], [0], [1], [0, 0, 1, 1], [], []>, transpose_lhs_hint = false} : vector<256x256xf32>, vector<256x256xf32>, vector<256x256xf32> -> vector<256x256xf32>
    %get3A_85 = arith.constant 0 : index
    %get3A_86 = arith.constant 0 : index
    %get3A_87 = vector.load %arg2[%get3A_85, %get3A_86] : memref<256x128xf32, #tpu.memory_space<vmem>>, vector<256x128xf32>
    %get3A_88 = arith.constant 0 : index
    %get3A_89 = arith.constant 0 : index
    %get3A_90 = vector.load %arg17[%get3A_88, %get3A_89] : memref<128x256xf32, #tpu.memory_space<vmem>>, vector<128x256xf32>
    %dot_general3A_91 = arith.constant dense<0.000000e+00> : vector<256x256xf32>
    %dot_general3A_92 = tpu.matmul %get3A_87, %get3A_90, %dot_general3A_91 {dimension_numbers = #tpu.dot_dimension_numbers<[1], [0], [0], [1], [0, 0, 1, 1], [], []>, transpose_lhs_hint = false} : vector<256x128xf32>, vector<128x256xf32>, vector<256x256xf32> -> vector<256x256xf32>
    %add3A_93 = arith.addf %dot_general3A_84, %dot_general3A_92 : vector<256x256xf32>
    %get3A_94 = arith.constant 0 : index
    %get3A_95 = arith.constant 0 : index
    %get3A_96 = vector.load %arg18[%get3A_94, %get3A_95] : memref<1x256xf32, #tpu.memory_space<vmem>>, vector<1x256xf32>
    %add3A_97 = vector.broadcast %get3A_96 : vector<1x256xf32> to vector<256x256xf32>
    %add3A_98 = arith.addf %add3A_93, %add3A_97 : vector<256x256xf32>
    %max3A_99 = arith.constant 0.000000e+00 : f32
    %max3A_100 = vector.broadcast %max3A_99 : f32 to vector<256x256xf32>
    %max3A_101 = arith.maximumf %add3A_98, %max3A_100 : vector<256x256xf32>
    %get3A_102 = arith.constant 0 : index
    %get3A_103 = arith.constant 0 : index
    %get3A_104 = vector.load %arg19[%get3A_102, %get3A_103] : memref<1x256xf32, #tpu.memory_space<vmem>>, vector<1x256xf32>
    %mul3A_105 = vector.broadcast %get3A_104 : vector<1x256xf32> to vector<256x256xf32>
    %mul3A_106 = arith.mulf %max3A_101, %mul3A_105 : vector<256x256xf32>
    %get3A_107 = arith.constant 0 : index
    %get3A_108 = arith.constant 0 : index
    %get3A_109 = vector.load %arg20[%get3A_107, %get3A_108] : memref<1x256xf32, #tpu.memory_space<vmem>>, vector<1x256xf32>
    %add3A_110 = vector.broadcast %get3A_109 : vector<1x256xf32> to vector<256x256xf32>
    %add3A_111 = arith.addf %mul3A_106, %add3A_110 : vector<256x256xf32>
    %get3A_112 = arith.constant 0 : index
    %get3A_113 = arith.constant 0 : index
    %get3A_114 = vector.load %arg21[%get3A_112, %get3A_113] : memref<256x512xf32, #tpu.memory_space<vmem>>, vector<256x512xf32>
    %get3A_115 = arith.constant 0 : index
    %get3A_116 = arith.constant 0 : index
    %get3A_117 = vector.load %arg22[%get3A_115, %get3A_116] : memref<1x512xf32, #tpu.memory_space<vmem>>, vector<1x512xf32>
    %get3A_118 = arith.constant 0 : index
    %get3A_119 = arith.constant 0 : index
    %get3A_120 = vector.load %arg23[%get3A_118, %get3A_119] : memref<1x512xf32, #tpu.memory_space<vmem>>, vector<1x512xf32>
    %get3A_121 = arith.constant 0 : index
    %get3A_122 = arith.constant 0 : index
    %get3A_123 = vector.load %arg24[%get3A_121, %get3A_122] : memref<1x512xf32, #tpu.memory_space<vmem>>, vector<1x512xf32>
    %dot_general3A_124 = arith.constant dense<0.000000e+00> : vector<256x512xf32>
    %dot_general3A_125 = tpu.matmul %add3A_111, %get3A_114, %dot_general3A_124 {dimension_numbers = #tpu.dot_dimension_numbers<[1], [0], [0], [1], [0, 0, 1, 1], [], []>, transpose_lhs_hint = false} : vector<256x256xf32>, vector<256x512xf32>, vector<256x512xf32> -> vector<256x512xf32>
    %add3A_126 = vector.broadcast %get3A_117 : vector<1x512xf32> to vector<256x512xf32>
    %add3A_127 = arith.addf %dot_general3A_125, %add3A_126 : vector<256x512xf32>
    %max3A_128 = arith.constant 0.000000e+00 : f32
    %max3A_129 = vector.broadcast %max3A_128 : f32 to vector<256x512xf32>
    %max3A_130 = arith.maximumf %add3A_127, %max3A_129 : vector<256x512xf32>
    %mul3A_131 = vector.broadcast %get3A_120 : vector<1x512xf32> to vector<256x512xf32>
    %mul3A_132 = arith.mulf %max3A_130, %mul3A_131 : vector<256x512xf32>
    %add3A_133 = vector.broadcast %get3A_123 : vector<1x512xf32> to vector<256x512xf32>
    %add3A_134 = arith.addf %mul3A_132, %add3A_133 : vector<256x512xf32>
    %get3A_135 = arith.constant 0 : index
    %get3A_136 = arith.constant 0 : index
    %get3A_137 = vector.load %arg25[%get3A_135, %get3A_136] : memref<512x1024xf32, #tpu.memory_space<vmem>>, vector<512x1024xf32>
    %get3A_138 = arith.constant 0 : index
    %get3A_139 = arith.constant 0 : index
    %get3A_140 = vector.load %arg26[%get3A_138, %get3A_139] : memref<1x1024xf32, #tpu.memory_space<vmem>>, vector<1x1024xf32>
    %get3A_141 = arith.constant 0 : index
    %get3A_142 = arith.constant 0 : index
    %get3A_143 = vector.load %arg27[%get3A_141, %get3A_142] : memref<1x1024xf32, #tpu.memory_space<vmem>>, vector<1x1024xf32>
    %get3A_144 = arith.constant 0 : index
    %get3A_145 = arith.constant 0 : index
    %get3A_146 = vector.load %arg28[%get3A_144, %get3A_145] : memref<1x1024xf32, #tpu.memory_space<vmem>>, vector<1x1024xf32>
    %dot_general3A_147 = arith.constant dense<0.000000e+00> : vector<256x1024xf32>
    %dot_general3A_148 = tpu.matmul %add3A_134, %get3A_137, %dot_general3A_147 {dimension_numbers = #tpu.dot_dimension_numbers<[1], [0], [0], [1], [0, 0, 1, 1], [], []>, transpose_lhs_hint = false} : vector<256x512xf32>, vector<512x1024xf32>, vector<256x1024xf32> -> vector<256x1024xf32>
    %add3A_149 = vector.broadcast %get3A_140 : vector<1x1024xf32> to vector<256x1024xf32>
    %add3A_150 = arith.addf %dot_general3A_148, %add3A_149 : vector<256x1024xf32>
    %max3A_151 = arith.constant 0.000000e+00 : f32
    %max3A_152 = vector.broadcast %max3A_151 : f32 to vector<256x1024xf32>
    %max3A_153 = arith.maximumf %add3A_150, %max3A_152 : vector<256x1024xf32>
    %mul3A_154 = vector.broadcast %get3A_143 : vector<1x1024xf32> to vector<256x1024xf32>
    %mul3A_155 = arith.mulf %max3A_153, %mul3A_154 : vector<256x1024xf32>
    %add3A_156 = vector.broadcast %get3A_146 : vector<1x1024xf32> to vector<256x1024xf32>
    %add3A_157 = arith.addf %mul3A_155, %add3A_156 : vector<256x1024xf32>
    %eq3A = arith.constant 0 : i32
    %eq3A_158 = arith.cmpi eq, %arg0, %eq3A : i32
    %convert_element_type3A = arith.extui %eq3A_158 : i1 to i32
    %cond3A = arith.constant 0 : i32
    %cond3A_159 = arith.cmpi ne, %convert_element_type3A, %cond3A : i32
    scf.if %cond3A_159 {
      %broadcast_in_dim3A_253 = arith.constant 0xFF800000 : f32
      %broadcast_in_dim3A_254 = vector.broadcast %broadcast_in_dim3A_253 : f32 to vector<8x1024xf32>
      %swap3A_255 = arith.constant 0 : index
      %swap3A_256 = arith.constant 0 : index
      %swap3A_257 = vector.load %arg29[%swap3A_255, %swap3A_256] : memref<8x1024xf32, #tpu.memory_space<vmem>>, vector<8x1024xf32>
      tpu.vector_store %arg29[%swap3A_255, %swap3A_256], %broadcast_in_dim3A_254 {strides = array<i32>} : memref<8x1024xf32, #tpu.memory_space<vmem>>, vector<8x1024xf32>,
    } else {
    }
    %get3A_160 = arith.constant 0 : index
    %get3A_161 = arith.constant 0 : index
    %get3A_162 = vector.load %arg3[%get3A_160, %get3A_161] : memref<256x128xf32, #tpu.memory_space<vmem>>, vector<256x1xf32>
    %eq3A_163 = arith.constant 0.000000e+00 : f32
    %eq3A_164 = vector.broadcast %eq3A_163 : f32 to vector<256x1xf32>
    %eq3A_165 = arith.cmpf oeq, %get3A_162, %eq3A_164 : vector<256x1xf32>
    %jit3A = arith.constant 0xFF800000 : f32
    %broadcast_in_dim3A = vector.shape_cast %eq3A_165 : vector<256x1xi1> to vector<256x1xi1>
    %broadcast_in_dim3A_166 = vector.broadcast %broadcast_in_dim3A : vector<256x1xi1> to vector<256x1024xi1>
    %broadcast_in_dim3A_167 = vector.broadcast %jit3A : f32 to vector<256x1024xf32>
    %select_n3A = arith.select %broadcast_in_dim3A_166, %add3A_157, %broadcast_in_dim3A_167 : vector<256x1024xi1>, vector<256x1024xf32>
    %reduce_max3A = arith.constant dense<0xFF800000> : vector<1024xf32>
    %reduce_max3A_168 = vector.multi_reduction <maximumf>, %select_n3A, %reduce_max3A [0] : vector<256x1024xf32> to vector<1024xf32>
    %broadcast_in_dim3A_169 = vector.shape_cast %reduce_max3A_168 : vector<1024xf32> to vector<1x1024xf32>
    %eq3A_170 = arith.constant 1.000000e+00 : f32
    %eq3A_171 = vector.broadcast %eq3A_170 : f32 to vector<256x1xf32>
    %eq3A_172 = arith.cmpf oeq, %get3A_162, %eq3A_171 : vector<256x1xf32>
    %jit3A_173 = arith.constant 0xFF800000 : f32
    %broadcast_in_dim3A_174 = vector.shape_cast %eq3A_172 : vector<256x1xi1> to vector<256x1xi1>
    %broadcast_in_dim3A_175 = vector.broadcast %broadcast_in_dim3A_174 : vector<256x1xi1> to vector<256x1024xi1>
    %broadcast_in_dim3A_176 = vector.broadcast %jit3A_173 : f32 to vector<256x1024xf32>
    %select_n3A_177 = arith.select %broadcast_in_dim3A_175, %add3A_157, %broadcast_in_dim3A_176 : vector<256x1024xi1>, vector<256x1024xf32>
    %reduce_max3A_178 = arith.constant dense<0xFF800000> : vector<1024xf32>
    %reduce_max3A_179 = vector.multi_reduction <maximumf>, %select_n3A_177, %reduce_max3A_178 [0] : vector<256x1024xf32> to vector<1024xf32>
    %broadcast_in_dim3A_180 = vector.shape_cast %reduce_max3A_179 : vector<1024xf32> to vector<1x1024xf32>
    %eq3A_181 = arith.constant 2.000000e+00 : f32
    %eq3A_182 = vector.broadcast %eq3A_181 : f32 to vector<256x1xf32>
    %eq3A_183 = arith.cmpf oeq, %get3A_162, %eq3A_182 : vector<256x1xf32>
    %jit3A_184 = arith.constant 0xFF800000 : f32
    %broadcast_in_dim3A_185 = vector.shape_cast %eq3A_183 : vector<256x1xi1> to vector<256x1xi1>
    %broadcast_in_dim3A_186 = vector.broadcast %broadcast_in_dim3A_185 : vector<256x1xi1> to vector<256x1024xi1>
    %broadcast_in_dim3A_187 = vector.broadcast %jit3A_184 : f32 to vector<256x1024xf32>
    %select_n3A_188 = arith.select %broadcast_in_dim3A_186, %add3A_157, %broadcast_in_dim3A_187 : vector<256x1024xi1>, vector<256x1024xf32>
    %reduce_max3A_189 = arith.constant dense<0xFF800000> : vector<1024xf32>
    %reduce_max3A_190 = vector.multi_reduction <maximumf>, %select_n3A_188, %reduce_max3A_189 [0] : vector<256x1024xf32> to vector<1024xf32>
    %broadcast_in_dim3A_191 = vector.shape_cast %reduce_max3A_190 : vector<1024xf32> to vector<1x1024xf32>
    %eq3A_192 = arith.constant 3.000000e+00 : f32
    %eq3A_193 = vector.broadcast %eq3A_192 : f32 to vector<256x1xf32>
    %eq3A_194 = arith.cmpf oeq, %get3A_162, %eq3A_193 : vector<256x1xf32>
    %jit3A_195 = arith.constant 0xFF800000 : f32
    %broadcast_in_dim3A_196 = vector.shape_cast %eq3A_194 : vector<256x1xi1> to vector<256x1xi1>
    %broadcast_in_dim3A_197 = vector.broadcast %broadcast_in_dim3A_196 : vector<256x1xi1> to vector<256x1024xi1>
    %broadcast_in_dim3A_198 = vector.broadcast %jit3A_195 : f32 to vector<256x1024xf32>
    %select_n3A_199 = arith.select %broadcast_in_dim3A_197, %add3A_157, %broadcast_in_dim3A_198 : vector<256x1024xi1>, vector<256x1024xf32>
    %reduce_max3A_200 = arith.constant dense<0xFF800000> : vector<1024xf32>
    %reduce_max3A_201 = vector.multi_reduction <maximumf>, %select_n3A_199, %reduce_max3A_200 [0] : vector<256x1024xf32> to vector<1024xf32>
    %broadcast_in_dim3A_202 = vector.shape_cast %reduce_max3A_201 : vector<1024xf32> to vector<1x1024xf32>
    %eq3A_203 = arith.constant 4.000000e+00 : f32
    %eq3A_204 = vector.broadcast %eq3A_203 : f32 to vector<256x1xf32>
    %eq3A_205 = arith.cmpf oeq, %get3A_162, %eq3A_204 : vector<256x1xf32>
    %jit3A_206 = arith.constant 0xFF800000 : f32
    %broadcast_in_dim3A_207 = vector.shape_cast %eq3A_205 : vector<256x1xi1> to vector<256x1xi1>
    %broadcast_in_dim3A_208 = vector.broadcast %broadcast_in_dim3A_207 : vector<256x1xi1> to vector<256x1024xi1>
    %broadcast_in_dim3A_209 = vector.broadcast %jit3A_206 : f32 to vector<256x1024xf32>
    %select_n3A_210 = arith.select %broadcast_in_dim3A_208, %add3A_157, %broadcast_in_dim3A_209 : vector<256x1024xi1>, vector<256x1024xf32>
    %reduce_max3A_211 = arith.constant dense<0xFF800000> : vector<1024xf32>
    %reduce_max3A_212 = vector.multi_reduction <maximumf>, %select_n3A_210, %reduce_max3A_211 [0] : vector<256x1024xf32> to vector<1024xf32>
    %broadcast_in_dim3A_213 = vector.shape_cast %reduce_max3A_212 : vector<1024xf32> to vector<1x1024xf32>
    %eq3A_214 = arith.constant 5.000000e+00 : f32
    %eq3A_215 = vector.broadcast %eq3A_214 : f32 to vector<256x1xf32>
    %eq3A_216 = arith.cmpf oeq, %get3A_162, %eq3A_215 : vector<256x1xf32>
    %jit3A_217 = arith.constant 0xFF800000 : f32
    %broadcast_in_dim3A_218 = vector.shape_cast %eq3A_216 : vector<256x1xi1> to vector<256x1xi1>
    %broadcast_in_dim3A_219 = vector.broadcast %broadcast_in_dim3A_218 : vector<256x1xi1> to vector<256x1024xi1>
    %broadcast_in_dim3A_220 = vector.broadcast %jit3A_217 : f32 to vector<256x1024xf32>
    %select_n3A_221 = arith.select %broadcast_in_dim3A_219, %add3A_157, %broadcast_in_dim3A_220 : vector<256x1024xi1>, vector<256x1024xf32>
    %reduce_max3A_222 = arith.constant dense<0xFF800000> : vector<1024xf32>
    %reduce_max3A_223 = vector.multi_reduction <maximumf>, %select_n3A_221, %reduce_max3A_222 [0] : vector<256x1024xf32> to vector<1024xf32>
    %broadcast_in_dim3A_224 = vector.shape_cast %reduce_max3A_223 : vector<1024xf32> to vector<1x1024xf32>
    %eq3A_225 = arith.constant 6.000000e+00 : f32
    %eq3A_226 = vector.broadcast %eq3A_225 : f32 to vector<256x1xf32>
    %eq3A_227 = arith.cmpf oeq, %get3A_162, %eq3A_226 : vector<256x1xf32>
    %jit3A_228 = arith.constant 0xFF800000 : f32
    %broadcast_in_dim3A_229 = vector.shape_cast %eq3A_227 : vector<256x1xi1> to vector<256x1xi1>
    %broadcast_in_dim3A_230 = vector.broadcast %broadcast_in_dim3A_229 : vector<256x1xi1> to vector<256x1024xi1>
    %broadcast_in_dim3A_231 = vector.broadcast %jit3A_228 : f32 to vector<256x1024xf32>
    %select_n3A_232 = arith.select %broadcast_in_dim3A_230, %add3A_157, %broadcast_in_dim3A_231 : vector<256x1024xi1>, vector<256x1024xf32>
    %reduce_max3A_233 = arith.constant dense<0xFF800000> : vector<1024xf32>
    %reduce_max3A_234 = vector.multi_reduction <maximumf>, %select_n3A_232, %reduce_max3A_233 [0] : vector<256x1024xf32> to vector<1024xf32>
    %broadcast_in_dim3A_235 = vector.shape_cast %reduce_max3A_234 : vector<1024xf32> to vector<1x1024xf32>
    %eq3A_236 = arith.constant 7.000000e+00 : f32
    %eq3A_237 = vector.broadcast %eq3A_236 : f32 to vector<256x1xf32>
    %eq3A_238 = arith.cmpf oeq, %get3A_162, %eq3A_237 : vector<256x1xf32>
    %jit3A_239 = arith.constant 0xFF800000 : f32
    %broadcast_in_dim3A_240 = vector.shape_cast %eq3A_238 : vector<256x1xi1> to vector<256x1xi1>
    %broadcast_in_dim3A_241 = vector.broadcast %broadcast_in_dim3A_240 : vector<256x1xi1> to vector<256x1024xi1>
    %broadcast_in_dim3A_242 = vector.broadcast %jit3A_239 : f32 to vector<256x1024xf32>
    %select_n3A_243 = arith.select %broadcast_in_dim3A_241, %add3A_157, %broadcast_in_dim3A_242 : vector<256x1024xi1>, vector<256x1024xf32>
    %reduce_max3A_244 = arith.constant dense<0xFF800000> : vector<1024xf32>
    %reduce_max3A_245 = vector.multi_reduction <maximumf>, %select_n3A_243, %reduce_max3A_244 [0] : vector<256x1024xf32> to vector<1024xf32>
    %broadcast_in_dim3A_246 = vector.shape_cast %reduce_max3A_245 : vector<1024xf32> to vector<1x1024xf32>
    %get3A_247 = arith.constant 0 : index
    %get3A_248 = arith.constant 0 : index
    %get3A_249 = vector.load %arg29[%get3A_247, %get3A_248] : memref<8x1024xf32, #tpu.memory_space<vmem>>, vector<8x1024xf32>
    %concatenate3A = tpu.concatenate %broadcast_in_dim3A_169, %broadcast_in_dim3A_180, %broadcast_in_dim3A_191, %broadcast_in_dim3A_202, %broadcast_in_dim3A_213, %broadcast_in_dim3A_224, %broadcast_in_dim3A_235, %broadcast_in_dim3A_246 in 0 : vector<1x1024xf32>, vector<1x1024xf32>, vector<1x1024xf32>, vector<1x1024xf32>, vector<1x1024xf32>, vector<1x1024xf32>, vector<1x1024xf32>, vector<1x1024xf32> -> vector<8x1024xf32>
    %max3A_250 = arith.maximumf %get3A_249, %concatenate3A : vector<8x1024xf32>
    %swap3A = arith.constant 0 : index
    %swap3A_251 = arith.constant 0 : index
    %swap3A_252 = vector.load %arg29[%swap3A, %swap3A_251] : memref<8x1024xf32, #tpu.memory_space<vmem>>, vector<8x1024xf32>
    tpu.vector_store %arg29[%swap3A, %swap3A_251], %max3A_250 {strides = array<i32>} : memref<8x1024xf32, #tpu.memory_space<vmem>>, vector<8x1024xf32>,
    return
  }
  func.func @transform_0(%arg0: i32) -> (i32, i32, i32) {
    %c0_i32 = arith.constant 0 : i32
    %c0_i32_0 = arith.constant 0 : i32
    %c0_i32_1 = arith.constant 0 : i32
    return %c0_i32, %arg0, %c0_i32_0 : i32, i32, i32
  }
  func.func @transform_1(%arg0: i32) -> (i32, i32) {
    %c0_i32 = arith.constant 0 : i32
    %c0_i32_0 = arith.constant 0 : i32
    return %arg0, %c0_i32 : i32, i32
  }
  func.func @transform_2(%arg0: i32) -> (i32, i32) {
    %c0_i32 = arith.constant 0 : i32
    %c0_i32_0 = arith.constant 0 : i32
    return %arg0, %c0_i32 : i32, i32
  }
  func.func @transform_3(%arg0: i32) -> (i32, i32) {
    %c0_i32 = arith.constant 0 : i32
    %c0_i32_0 = arith.constant 0 : i32
    %c0_i32_1 = arith.constant 0 : i32
    return %c0_i32, %c0_i32_0 : i32, i32
  }
  func.func @transform_4(%arg0: i32) -> (i32, i32) {
    %c0_i32 = arith.constant 0 : i32
    %c0_i32_0 = arith.constant 0 : i32
    %c0_i32_1 = arith.constant 0 : i32
    return %c0_i32, %c0_i32_0 : i32, i32
  }
  func.func @transform_5(%arg0: i32) -> (i32, i32) {
    %c0_i32 = arith.constant 0 : i32
    %c0_i32_0 = arith.constant 0 : i32
    %c0_i32_1 = arith.constant 0 : i32
    return %c0_i32, %c0_i32_0 : i32, i32
  }
  func.func @transform_6(%arg0: i32) -> (i32, i32) {
    %c0_i32 = arith.constant 0 : i32
    %c0_i32_0 = arith.constant 0 : i32
    %c0_i32_1 = arith.constant 0 : i32
    return %c0_i32, %c0_i32_0 : i32, i32
  }
  func.func @transform_7(%arg0: i32) -> (i32, i32) {
    %c0_i32 = arith.constant 0 : i32
    %c0_i32_0 = arith.constant 0 : i32
    %c0_i32_1 = arith.constant 0 : i32
    return %c0_i32, %c0_i32_0 : i32, i32
  }
  func.func @transform_8(%arg0: i32) -> (i32, i32) {
    %c0_i32 = arith.constant 0 : i32
    %c0_i32_0 = arith.constant 0 : i32
    %c0_i32_1 = arith.constant 0 : i32
    return %c0_i32, %c0_i32_0 : i32, i32
  }
  func.func @transform_9(%arg0: i32) -> (i32, i32) {
    %c0_i32 = arith.constant 0 : i32
    %c0_i32_0 = arith.constant 0 : i32
    %c0_i32_1 = arith.constant 0 : i32
    return %c0_i32, %c0_i32_0 : i32, i32
  }
  func.func @transform_10(%arg0: i32) -> (i32, i32) {
    %c0_i32 = arith.constant 0 : i32
    %c0_i32_0 = arith.constant 0 : i32
    %c0_i32_1 = arith.constant 0 : i32
    return %c0_i32, %c0_i32_0 : i32, i32
  }
  func.func @transform_11(%arg0: i32) -> (i32, i32) {
    %c0_i32 = arith.constant 0 : i32
    %c0_i32_0 = arith.constant 0 : i32
    %c0_i32_1 = arith.constant 0 : i32
    return %c0_i32, %c0_i32_0 : i32, i32
  }
  func.func @transform_12(%arg0: i32) -> (i32, i32) {
    %c0_i32 = arith.constant 0 : i32
    %c0_i32_0 = arith.constant 0 : i32
    %c0_i32_1 = arith.constant 0 : i32
    return %c0_i32, %c0_i32_0 : i32, i32
  }
  func.func @transform_13(%arg0: i32) -> (i32, i32) {
    %c0_i32 = arith.constant 0 : i32
    %c0_i32_0 = arith.constant 0 : i32
    %c0_i32_1 = arith.constant 0 : i32
    return %c0_i32, %c0_i32_0 : i32, i32
  }
  func.func @transform_14(%arg0: i32) -> (i32, i32) {
    %c0_i32 = arith.constant 0 : i32
    %c0_i32_0 = arith.constant 0 : i32
    %c0_i32_1 = arith.constant 0 : i32
    return %c0_i32, %c0_i32_0 : i32, i32
  }
  func.func @transform_15(%arg0: i32) -> (i32, i32) {
    %c0_i32 = arith.constant 0 : i32
    %c0_i32_0 = arith.constant 0 : i32
    %c0_i32_1 = arith.constant 0 : i32
    return %c0_i32, %c0_i32_0 : i32, i32
  }
  func.func @transform_16(%arg0: i32) -> (i32, i32) {
    %c0_i32 = arith.constant 0 : i32
    %c0_i32_0 = arith.constant 0 : i32
    %c0_i32_1 = arith.constant 0 : i32
    return %c0_i32, %c0_i32_0 : i32, i32
  }
  func.func @transform_17(%arg0: i32) -> (i32, i32) {
    %c0_i32 = arith.constant 0 : i32
    %c0_i32_0 = arith.constant 0 : i32
    %c0_i32_1 = arith.constant 0 : i32
    return %c0_i32, %c0_i32_0 : i32, i32
  }
  func.func @transform_18(%arg0: i32) -> (i32, i32) {
    %c0_i32 = arith.constant 0 : i32
    %c0_i32_0 = arith.constant 0 : i32
    %c0_i32_1 = arith.constant 0 : i32
    return %c0_i32, %c0_i32_0 : i32, i32
  }
  func.func @transform_19(%arg0: i32) -> (i32, i32) {
    %c0_i32 = arith.constant 0 : i32
    %c0_i32_0 = arith.constant 0 : i32
    %c0_i32_1 = arith.constant 0 : i32
    return %c0_i32, %c0_i32_0 : i32, i32
  }
  func.func @transform_20(%arg0: i32) -> (i32, i32) {
    %c0_i32 = arith.constant 0 : i32
    %c0_i32_0 = arith.constant 0 : i32
    %c0_i32_1 = arith.constant 0 : i32
    return %c0_i32, %c0_i32_0 : i32, i32
  }
  func.func @transform_21(%arg0: i32) -> (i32, i32) {
    %c0_i32 = arith.constant 0 : i32
    %c0_i32_0 = arith.constant 0 : i32
    %c0_i32_1 = arith.constant 0 : i32
    return %c0_i32, %c0_i32_0 : i32, i32
  }
  func.func @transform_22(%arg0: i32) -> (i32, i32) {
    %c0_i32 = arith.constant 0 : i32
    %c0_i32_0 = arith.constant 0 : i32
    %c0_i32_1 = arith.constant 0 : i32
    return %c0_i32, %c0_i32_0 : i32, i32
  }
  func.func @transform_23(%arg0: i32) -> (i32, i32) {
    %c0_i32 = arith.constant 0 : i32
    %c0_i32_0 = arith.constant 0 : i32
    %c0_i32_1 = arith.constant 0 : i32
    return %c0_i32, %c0_i32_0 : i32, i32
  }
  func.func @transform_24(%arg0: i32) -> (i32, i32) {
    %c0_i32 = arith.constant 0 : i32
    %c0_i32_0 = arith.constant 0 : i32
    %c0_i32_1 = arith.constant 0 : i32
    return %c0_i32, %c0_i32_0 : i32, i32
  }
  func.func @transform_25(%arg0: i32) -> (i32, i32) {
    %c0_i32 = arith.constant 0 : i32
    %c0_i32_0 = arith.constant 0 : i32
    %c0_i32_1 = arith.constant 0 : i32
    return %c0_i32, %c0_i32_0 : i32, i32
  }
  func.func @transform_26(%arg0: i32) -> (i32, i32) {
    %c0_i32 = arith.constant 0 : i32
    %c0_i32_0 = arith.constant 0 : i32
    %c0_i32_1 = arith.constant 0 : i32
    return %c0_i32, %c0_i32_0 : i32, i32
  }
  func.func @transform_27(%arg0: i32) -> (i32, i32) {
    %c0_i32 = arith.constant 0 : i32
    %c0_i32_0 = arith.constant 0 : i32
    %c0_i32_1 = arith.constant 0 : i32
    return %c0_i32, %c0_i32_0 : i32, i32
  }
  func.func @transform_28(%arg0: i32) -> (i32, i32) {
    %c0_i32 = arith.constant 0 : i32
    %c0_i32_0 = arith.constant 0 : i32
    %c0_i32_1 = arith.constant 0 : i32
    return %c0_i32, %c0_i32_0 : i32, i32
  }
}

module attributes {stable_mosaic.version = 14 : i64} {
  func.func @_head_body(%arg0: memref<8x1024xf32, #tpu.memory_space<vmem>>, %arg1: memref<1024x256xf32, #tpu.memory_space<vmem>>, %arg2: memref<1x256xf32, #tpu.memory_space<vmem>>, %arg3: memref<1x256xf32, #tpu.memory_space<vmem>>, %arg4: memref<1x256xf32, #tpu.memory_space<vmem>>, %arg5: memref<256x128xf32, #tpu.memory_space<vmem>>, %arg6: memref<1x128xf32, #tpu.memory_space<vmem>>, %arg7: memref<1x128xf32, #tpu.memory_space<vmem>>, %arg8: memref<1x128xf32, #tpu.memory_space<vmem>>, %arg9: memref<128x128xf32, #tpu.memory_space<vmem>>, %arg10: memref<1x128xf32, #tpu.memory_space<vmem>>, %arg11: memref<8x1024xf32, #tpu.memory_space<vmem>>, %arg12: memref<8x128xf32, #tpu.memory_space<vmem>>) attributes {dimension_semantics = [], scalar_prefetch = 0 : i64, scratch_operands = 0 : i64, tpu.core_type = #tpu.core_type<tc>} {
    %get3A = arith.constant 0 : index
    %get3A_0 = arith.constant 0 : index
    %get3A_1 = vector.load %arg0[%get3A, %get3A_0] : memref<8x1024xf32, #tpu.memory_space<vmem>>, vector<8x1024xf32>
    %is_finite3A = tpu.weird %get3A_1 : vector<8x1024xf32> -> vector<8x1024xi1>
    %is_finite3A_2 = arith.constant dense<true> : vector<8x1024xi1>
    %is_finite3A_3 = arith.xori %is_finite3A, %is_finite3A_2 : vector<8x1024xi1>
    %jit3A = arith.constant 0.000000e+00 : f32
    %broadcast_in_dim3A = vector.broadcast %jit3A : f32 to vector<8x1024xf32>
    %select_n3A = arith.select %is_finite3A_3, %get3A_1, %broadcast_in_dim3A : vector<8x1024xi1>, vector<8x1024xf32>
    %swap3A = arith.constant 0 : index
    %swap3A_4 = arith.constant 0 : index
    %swap3A_5 = vector.load %arg11[%swap3A, %swap3A_4] : memref<8x1024xf32, #tpu.memory_space<vmem>>, vector<8x1024xf32>
    tpu.vector_store %arg11[%swap3A, %swap3A_4], %select_n3A {strides = array<i32>} : memref<8x1024xf32, #tpu.memory_space<vmem>>, vector<8x1024xf32>,
    %get3A_6 = arith.constant 0 : index
    %get3A_7 = arith.constant 0 : index
    %get3A_8 = vector.load %arg1[%get3A_6, %get3A_7] : memref<1024x256xf32, #tpu.memory_space<vmem>>, vector<1024x256xf32>
    %get3A_9 = arith.constant 0 : index
    %get3A_10 = arith.constant 0 : index
    %get3A_11 = vector.load %arg2[%get3A_9, %get3A_10] : memref<1x256xf32, #tpu.memory_space<vmem>>, vector<1x256xf32>
    %get3A_12 = arith.constant 0 : index
    %get3A_13 = arith.constant 0 : index
    %get3A_14 = vector.load %arg3[%get3A_12, %get3A_13] : memref<1x256xf32, #tpu.memory_space<vmem>>, vector<1x256xf32>
    %get3A_15 = arith.constant 0 : index
    %get3A_16 = arith.constant 0 : index
    %get3A_17 = vector.load %arg4[%get3A_15, %get3A_16] : memref<1x256xf32, #tpu.memory_space<vmem>>, vector<1x256xf32>
    %dot_general3A = arith.constant dense<0.000000e+00> : vector<8x256xf32>
    %dot_general3A_18 = tpu.matmul %select_n3A, %get3A_8, %dot_general3A {dimension_numbers = #tpu.dot_dimension_numbers<[1], [0], [0], [1], [0, 0, 1, 1], [], []>, transpose_lhs_hint = false} : vector<8x1024xf32>, vector<1024x256xf32>, vector<8x256xf32> -> vector<8x256xf32>
    %add3A = vector.broadcast %get3A_11 : vector<1x256xf32> to vector<8x256xf32>
    %add3A_19 = arith.addf %dot_general3A_18, %add3A : vector<8x256xf32>
    %max3A = arith.constant 0.000000e+00 : f32
    %max3A_20 = vector.broadcast %max3A : f32 to vector<8x256xf32>
    %max3A_21 = arith.maximumf %add3A_19, %max3A_20 : vector<8x256xf32>
    %mul3A = vector.broadcast %get3A_14 : vector<1x256xf32> to vector<8x256xf32>
    %mul3A_22 = arith.mulf %max3A_21, %mul3A : vector<8x256xf32>
    %add3A_23 = vector.broadcast %get3A_17 : vector<1x256xf32> to vector<8x256xf32>
    %add3A_24 = arith.addf %mul3A_22, %add3A_23 : vector<8x256xf32>
    %get3A_25 = arith.constant 0 : index
    %get3A_26 = arith.constant 0 : index
    %get3A_27 = vector.load %arg5[%get3A_25, %get3A_26] : memref<256x128xf32, #tpu.memory_space<vmem>>, vector<256x128xf32>
    %get3A_28 = arith.constant 0 : index
    %get3A_29 = arith.constant 0 : index
    %get3A_30 = vector.load %arg6[%get3A_28, %get3A_29] : memref<1x128xf32, #tpu.memory_space<vmem>>, vector<1x128xf32>
    %get3A_31 = arith.constant 0 : index
    %get3A_32 = arith.constant 0 : index
    %get3A_33 = vector.load %arg7[%get3A_31, %get3A_32] : memref<1x128xf32, #tpu.memory_space<vmem>>, vector<1x128xf32>
    %get3A_34 = arith.constant 0 : index
    %get3A_35 = arith.constant 0 : index
    %get3A_36 = vector.load %arg8[%get3A_34, %get3A_35] : memref<1x128xf32, #tpu.memory_space<vmem>>, vector<1x128xf32>
    %dot_general3A_37 = arith.constant dense<0.000000e+00> : vector<8x128xf32>
    %dot_general3A_38 = tpu.matmul %add3A_24, %get3A_27, %dot_general3A_37 {dimension_numbers = #tpu.dot_dimension_numbers<[1], [0], [0], [1], [0, 0, 1, 1], [], []>, transpose_lhs_hint = false} : vector<8x256xf32>, vector<256x128xf32>, vector<8x128xf32> -> vector<8x128xf32>
    %add3A_39 = vector.broadcast %get3A_30 : vector<1x128xf32> to vector<8x128xf32>
    %add3A_40 = arith.addf %dot_general3A_38, %add3A_39 : vector<8x128xf32>
    %max3A_41 = arith.constant 0.000000e+00 : f32
    %max3A_42 = vector.broadcast %max3A_41 : f32 to vector<8x128xf32>
    %max3A_43 = arith.maximumf %add3A_40, %max3A_42 : vector<8x128xf32>
    %mul3A_44 = vector.broadcast %get3A_33 : vector<1x128xf32> to vector<8x128xf32>
    %mul3A_45 = arith.mulf %max3A_43, %mul3A_44 : vector<8x128xf32>
    %add3A_46 = vector.broadcast %get3A_36 : vector<1x128xf32> to vector<8x128xf32>
    %add3A_47 = arith.addf %mul3A_45, %add3A_46 : vector<8x128xf32>
    %get3A_48 = arith.constant 0 : index
    %get3A_49 = arith.constant 0 : index
    %get3A_50 = vector.load %arg9[%get3A_48, %get3A_49] : memref<128x128xf32, #tpu.memory_space<vmem>>, vector<128x128xf32>
    %dot_general3A_51 = arith.constant dense<0.000000e+00> : vector<8x128xf32>
    %dot_general3A_52 = tpu.matmul %add3A_47, %get3A_50, %dot_general3A_51 {dimension_numbers = #tpu.dot_dimension_numbers<[1], [0], [0], [1], [0, 0, 1, 1], [], []>, transpose_lhs_hint = false} : vector<8x128xf32>, vector<128x128xf32>, vector<8x128xf32> -> vector<8x128xf32>
    %get3A_53 = arith.constant 0 : index
    %get3A_54 = arith.constant 0 : index
    %get3A_55 = vector.load %arg10[%get3A_53, %get3A_54] : memref<1x128xf32, #tpu.memory_space<vmem>>, vector<1x128xf32>
    %add3A_56 = vector.broadcast %get3A_55 : vector<1x128xf32> to vector<8x128xf32>
    %add3A_57 = arith.addf %dot_general3A_52, %add3A_56 : vector<8x128xf32>
    %swap3A_58 = arith.constant 0 : index
    %swap3A_59 = arith.constant 0 : index
    %swap3A_60 = vector.load %arg12[%swap3A_58, %swap3A_59] : memref<8x128xf32, #tpu.memory_space<vmem>>, vector<8x128xf32>
    tpu.vector_store %arg12[%swap3A_58, %swap3A_59], %add3A_57 {strides = array<i32>} : memref<8x128xf32, #tpu.memory_space<vmem>>, vector<8x128xf32>,
    return
  }
}

</mosaic_0001>

<sc_bundles>
// kernel: kernel.6.cloned.1.call-start
scs
__scs_entry_jumppad:
0x0: {  	(pc) =	sbr.rel $0x88, $3  }
0x1: {  	(tag) =	ssettag $0x0;
	lr =	simm.s32 $0x1  }
0x2: {  	[smem:$0x3F6F] =	sst lr;
	_ =	strace $0xD0000000  }
0x3: {  	_ = 	snop  }
0x4: {  	_ = 	snop  }
0x5: {  	_ = 	snop  }
0x6: {  	_ = 	snop  }
0x7: {  	_ = 	snop  }
__scs_overlays_trampoline_lowered:
0x8: {  	[smem:$0x3F7E] =	sst s0  }
0x9: {  	[smem:$0x3F7F] =	sst s1  }
0xa: {  	[smem:$0x3F80] =	sst s2  }
0xb: {  	[smem:$0x3F81] =	sst s3  }
0xc: {  	[smem:$0x3F82] =	sst s4  }
0xd: {  	[smem:$0x3F83] =	sst s5  }
0xe: {  	[smem:$0x3F84] =	sst s6  }
0xf: {  	[smem:$0x3F85] =	sst s7  }
0x10: {  	[smem:$0x3F86] =	sst s8  }
0x11: {  	[smem:$0x3F87] =	sst s9;
	s0 =	simm.s32 @!p0 $0x0  }
0x12: {  	s1 =	sld [smem:$0x3F6D];
	s0 =	simm.s32 @p0 $0x1  }
0x13: {  	[smem:$0x3F88] =	sst s0;
	s0 =	simm.s32 @!p1 $0x0  }
0x14: {  	s2 =	sld [smem:$0x3F6C];
	s0 =	simm.s32 @p1 $0x1  }
0x15: {  	[smem:$0x3F89] =	sst s0;
	s0 =	simm.s32 @!p2 $0x0  }
0x16: {  	s3 =	sld [smem:$0x3FDB];
	s0 =	simm.s32 @p2 $0x1  }
0x17: {  	s4 =	simm.s32 $0x1BF5;
	[smem:$0x3F8B] =	sst s0  }
0x18: {  	s0 =	sld [smem:$0x3F6E];
	_ =	swait.ge [sflag:s4], $0x0  }
0x19: {  	s7 =	sld [smem:$0x3F6F]  }
0x1a: {  	s8 =	sadd.s32 $0xFFFFE003, lr  }
0x1b: {  	s9 =	sadd.s32 $0xFFFFFEF7, lr;
	s5 =	simm.s32 $0xFFFFFFFF;
	p2 =	slt.u32 s8, $0xFFFFF086  }
0x1c: {  	p1 =	slt.u32 s9, $0xF7A;
	s5 =	simm.s32 @!p2 $0x0  }
0x1d: {  	s5 =	simm.s32 @p1 $0x1;
	p0 =	seq.s32 s7, s2  }
0x1e: {  	s7 =	smul.u32 @!p0 $0xF7A, s2;
	p2 =	seq.s32 @!p0 s5, $0x0  }
0x1f: {  	s9 =	smul.u32 $0xF7A, s1;
	s8 =	simm.s32 @!p0 $0x1BF5;
	p2 =	por !p2, p0  }
0x20: {  	[sflag:s8] =	ssyncset.s32 @!p0 $0xFFFFF086;
	s6 =	sadd.s32 @!p0 s3, s7;
	s7 =	simm.s32 @!p0 $0x108  }
0x21: {  	s3 =	sadd.s32 s3, s9;
	s6 =	sadd.s32 @!p0 $0x88, s6;
	s7 =	simm.s32 @p2 $0x1082  }
0x22: {  	[simem:s7], [sflag:s8] =	dma.local @!p0 [hbm:s6], $0xF7A  }
0x23: {  	s9 =	sor.u32 $0xD0000000, s2;
	s6 =	simm.s32 $0x108;
	_ =	swait.ge @!p0 [sflag:s8], $0x0  }
0x24: {  	s3 =	sadd.s32 $0x88, s3;
	s6 =	simm.s32 @!p1 $0x1082;
	[sflag:s4] =	ssyncset.s32 $0xFFFFF086  }
0x25: {  	[simem:s6], [sflag:s4] =	dma.local [hbm:s3], $0xF7A  }
0x26: {  	[smem:$0x3F6F] =	sst s1;
	(tag) =	ssettag s2;
	_ =	strace s9  }
0x27: {  	s1 =	sld [smem:$0x3F7F]  }
0x28: {  	s2 =	sld [smem:$0x3F80]  }
0x29: {  	s4 =	sld [smem:$0x3F82]  }
0x2a: {  	p0 =	seq.s32 s5, $0x0;
	s5 =	sld [smem:$0x3F83]  }
0x2b: {  	s6 =	sld [smem:$0x3F84]  }
0x2c: {  	s7 =	sld [smem:$0x3F85]  }
0x2d: {  	s3 =	simm.s32 $0x108;
	s8 =	sld [smem:$0x3F86]  }
0x2e: {  	s3 =	simm.s32 @!p0 $0x1082;
	s9 =	sld [smem:$0x3F87]  }
0x2f: {  	lr =	sadd.s32 s0, s3;
	s0 =	sld [smem:$0x3F7E]  }
0x30: {  	s3 =	sld [smem:$0x3F81]  }
0x31: {  	[smem:$0x3F8A] =	sst s10  }
0x32: {  	s10 =	sld [smem:$0x3F88];
	_ =	sdelay $0x3  }
0x33: {  	p0 =	seq.s32 s10, $0x1;
	s10 =	sld [smem:$0x3F8A];
	_ =	sdelay $0x3  }
0x34: {  	[smem:$0x3F8A] =	sst s10  }
0x35: {  	s10 =	sld [smem:$0x3F89];
	_ =	sdelay $0x3  }
0x36: {  	p1 =	seq.s32 s10, $0x1;
	s10 =	sld [smem:$0x3F8A];
	_ =	sdelay $0x3  }
0x37: {  	[smem:$0x3F8A] =	sst s10  }
0x38: {  	s10 =	sld [smem:$0x3F8B]  }
0x39: {  	_ = 	snop;
	(pc) =	sbr.ind lr, $3  }
0x3a: {  	_ = 	snop  }
0x3b: {  	_ = 	snop  }
0x3c: {  	p2 =	seq.s32 s10, $0x1;
	s10 =	sld [smem:$0x3F8A]  }
0x3d: {  	_ =	shalt  }
0x3e: {  	_ =	shalt  }
0x3f: {  	_ =	shalt  }
0x40: {  	_ =	shalt  }
0x41: {  	_ =	shalt  }
0x42: {  	_ =	shalt  }
0x43: {  	_ =	shalt  }
0x44: {  	_ =	shalt  }
0x45: {  	_ =	shalt  }
0x46: {  	_ =	shalt  }
0x47: {  	_ =	shalt  }
0x48: {  	_ =	shalt  }
0x49: {  	_ =	shalt  }
0x4a: {  	_ =	shalt  }
0x4b: {  	_ =	shalt  }
0x4c: {  	_ =	shalt  }
0x4d: {  	_ =	shalt  }
0x4e: {  	_ =	shalt  }
0x4f: {  	_ =	shalt  }
0x50: {  	_ =	shalt  }
0x51: {  	_ =	shalt  }
0x52: {  	_ =	shalt  }
0x53: {  	_ =	shalt  }
0x54: {  	_ =	shalt  }
0x55: {  	_ =	shalt  }
0x56: {  	_ =	shalt  }
0x57: {  	_ =	shalt  }
0x58: {  	_ =	shalt  }
0x59: {  	_ =	shalt  }
0x5a: {  	_ =	shalt  }
0x5b: {  	_ =	shalt  }
0x5c: {  	_ =	shalt  }
0x5d: {  	_ =	shalt  }
0x5e: {  	_ =	shalt  }
0x5f: {  	_ =	shalt  }
0x60: {  	_ =	shalt  }
0x61: {  	_ =	shalt  }
0x62: {  	_ =	shalt  }
0x63: {  	_ =	shalt  }
0x64: {  	_ =	shalt  }
0x65: {  	_ =	shalt  }
0x66: {  	_ =	shalt  }
0x67: {  	_ =	shalt  }
0x68: {  	_ =	shalt  }
0x69: {  	_ =	shalt  }
0x6a: {  	_ =	shalt  }
0x6b: {  	_ =	shalt  }
0x6c: {  	_ =	shalt  }
0x6d: {  	_ =	shalt  }
0x6e: {  	_ =	shalt  }
0x6f: {  	_ =	shalt  }
0x70: {  	_ =	shalt  }
0x71: {  	_ =	shalt  }
0x72: {  	_ =	shalt  }
0x73: {  	_ =	shalt  }
0x74: {  	_ =	shalt  }
0x75: {  	_ =	shalt  }
0x76: {  	_ =	shalt  }
0x77: {  	_ =	shalt  }
0x78: {  	_ =	shalt  }
0x79: {  	_ =	shalt  }
0x7a: {  	_ =	shalt  }
0x7b: {  	_ =	shalt  }
0x7c: {  	_ =	shalt  }
0x7d: {  	_ =	shalt  }
0x7e: {  	_ =	shalt  }
0x7f: {  	_ =	shalt  }
0x80: {  	_ =	shalt  }
0x81: {  	_ =	shalt  }
0x82: {  	_ =	shalt  }
0x83: {  	_ =	shalt  }
0x84: {  	_ =	shalt  }
0x85: {  	_ =	shalt  }
0x86: {  	_ =	shalt  }
0x87: {  	_ =	shalt  }
.Lfunc_end0:
.L_simem_size_0:
called_computation_lowered:
.L_overlay_start_0:
0x88: {  	s2 =	sld [smem:$0x3FD9]  }
0x89: {  	s3 =	sld [smem:$0x3FFE];
	_ =	sdelay $0x1  }
0x8a: {  	s1 =	srdreg.scid  }
0x8b: {  	s0 =	sand.u32 $0x1, s1  }
0x8c: {  	s16 =	sshll.u32 s0, $0xA;
	s2 =	sadd.s32 s3, s2  }
0x8d: {  	s2 =	sadd.s32 s2, s16  }
0x8e: {  	[smem:$0x3F96] =	sst s2  }
0x8f: {  	_ = 	snop  }
0x90: {  	(tm) =	ssettm $0x1  }
0x91: {  	s17 =	sld [smem:$0x3FFB];
	_ =	sdelay $0x3  }
0x92: {  	_ =	strace s17  }
0x93: {  	s2 =	sld [smem:$0x3FFC];
	_ =	sdelay $0x3  }
0x94: {  	_ =	strace s2  }
0x95: {  	s2 =	sld [smem:$0x3FFD];
	_ =	sdelay $0x3  }
0x96: {  	_ =	strace s2  }
0x97: {  	_ =	strace $0x8FFFFFFF  }
0x98: {  	s18 =	sld [smem:$0x3FDB];
	_ =	sdelay $0x1  }
0x99: {  	s19 =	simm.s32 $_scs_section_size  }
0x9a: {  	s4 =	simm.s32 $_size__tile_overlayer_lowered;
	s5 =	simm.s32 $_tile_overlayer_lowered  }
0x9b: {  	s22 =	simm.s32 $0x1BFF;
	s21 =	sshll.u32 s5, $0x1;
	s2 =	sadd.s32 s19, s18  }
0x9c: {  	s6 =	simm.s32 $0x0;
	s20 =	sshll.u32 s4, $0x1;
	s4 =	sadd.s32 s21, s2  }
0x9d: {  	[timem:s6], [sflag:s22] =	dma.local [hbm:s4], s20  }
0x9e: {  	_ =	swait.ge [sflag:s22], s20  }
0x9f: {  	s3 =	ssub.s32 $0x0, s20;
	[sflag:s22] =	ssyncset.done $0x0  }
0xa0: {  	[sflag:s22] =	ssyncadd.s32 s3;
	_ =	sdelay $0x1  }
0xa1: {  	s23 =	simm.s32 $0x1B8B  }
0xa2: {  	_ =	swait.ge [sflag:s23], $0x1  }
0xa3: {  	[sflag:s23] =	ssyncset.done $0x0  }
0xa4: {  	s25 =	simm.s32 $0x1B8E;
	s24 =	sld [smem:$0x3FFE];
	[sflag:s23] =	ssyncadd.s32 $0xFFFFFFFF  }
0xa5: {  	s26 =	simm.s32 $execute0_lowered;
	[smem:$0x3FD2] =	sst s25  }
0xa6: {  	s4 =	sshll.u32 s26, $0x1;
	_ =	strace $0x80000046;
	[dreg:$0x1] =	wrdreg $0xFFFFFFFF  }
0xa7: {  	s28 =	simm.s32 $_size_execute0_lowered;
	s2 =	sadd.s32 s2, s4;
	[dreg:$0x0] =	wrdreg $0x0  }
0xa8: {  	s4 =	sshll.u32 s28, $0x1;
	[dreg:$0x2] =	wrdreg s2  }
0xa9: {  	[dreg:$0x3] =	wrdreg s4  }
0xaa: {  	[dreg:$0x4] =	wrdreg $0xC0  }
0xab: {  	_ =	task [dreg:s6], $0x5FFFF  }
0xac: {  	[dreg:$0x1] =	wrdreg $0xFFFFFFFF  }
0xad: {  	[dreg:$0x0] =	wrdreg $0x60  }
0xae: {  	[dreg:$0x2] =	wrdreg s24  }
0xaf: {  	[dreg:$0x3] =	wrdreg $0x94000  }
0xb0: {  	[dreg:$0x4] =	wrdreg $0x9  }
0xb1: {  	_ =	task.clear_ibuf [dreg:s6], $0x5FFFF;
	_ =	strace $0x90000046  }
0xb2: {  	s29 =	simm.s32 $0x9;
	_ =	strace $0x80000048  }
0xb3: {  	_ =	swait.ge [sflag:s29], $0x1  }
0xb4: {  	[sflag:s29] =	ssyncadd.s32 $0xFFFFFFFF  }
0xb5: {  	_ =	strace $0x90000048  }
0xb6: {  	_ =	sfence  }
0xb7: {  	s30 =	sld [smem:$0x0];
	_ =	sdelay $0x2  }
0xb8: {  	s31 =	sshll.u32 s1, $0xD;
	s1 =	sshrl.u32 s1, $0x2  }
0xb9: {  	s3 =	sand.u32 $0x4000, s31;
	s1 =	sadd.s32 s1, s30  }
0xba: {  	s0 =	sor.u32 s3, s0;
	s1 =	sshll.u32 s1, $0x11  }
0xbb: {  	s0 =	sor.u32 s1, s0  }
0xbc: {  	s0 =	sadd.s32 $0x8F2B, s0  }
0xbd: {  	[sflag:s0] =	ssyncadd.remote.s32 $0x1  }
0xbe: {  	_ =	sfence.sel $0xFFFF  }
0xbf: {  	[dreg:$0x0] =	wrdreg $0xFFFFFFFF;
	(pc) =	sbr.abs _section_cstart, $3  }
0xc0: {  	[dreg:$0x1] =	wrdreg $0xFFFFFFFF  }
0xc1: {  	_ =	task.clear_ibuf [dreg:s6], $0x2FFFF;
	_ =	strace $0x9FFFFFFF  }
0xc2: {  	(tm) =	ssettm $0x7FFFFFFF  }
0xc3: {  	_ =	shalt  }
tec
execute0_lowered:
.L_overlay_start_1:
0x0: {  	(tag) =	ssettag $0x1  }
0x1: {  	s6 =	rddreg [dreg:$0x0]  }
0x2: {  	s0 =	srdreg.scid;
	s2 =	rddreg [dreg:$0x1]  }
0x3: {  	s1 =	rddreg [dreg:$0x2];
	s3 =	simm.s32 $0x0;
	s7 =	sand.u32 $0x1, s0  }
0x4: {  	s15 =	simm.s32 $0x2;
	s0 =	stileid.u32;
	s4 =	smul.u32 $0xA0000, s7  }
0x5: {  	s16 =	simm.s32 $0x80;
	s17 =	simm.s32 $0x100;
	s5 =	smul.u32 $0xA000, s0  }
0x6: {  	s18 =	simm.s32 $0x4C00;
	s19 =	simm.s32 $0x1;
	s8 =	smul.u32 $0x280, s0  }
0x7: {  	s20 =	simm.s32 $0x180;
	s21 =	simm.s32 $0x0;
	s9 =	smul.u32 $0x2800, s7  }
0x8: {  	[smem:$0x7FF] =	sst s3;
	s10 =	smul.u32 $0x5A000, s0;
	s7 =	ssub.s32 $0x2, s7  }
0x9: {  	s11 =	sadd.s32 $0x89600, s6;
	s30 =	sshrl.u32 s7, $0x1;
	s8 =	sadd.s32 s8, s9  }
0xa: {  	s4 =	sadd.s32 s5, s4;
	s29 =	sshrl.u32 s10, $0x2;
	s9 =	smul.u32 $0x90, s8  }
0xb: {  	s5 =	sshrl.u32 s4, $0x3;
	s4 =	sadd.s32 $0x7600, s6;
	s12 =	smul.u32 $0x12, s8  }
0xc: {  	s13 =	sadd.s32 s5, s6;
	s5 =	sadd.s32 $0x5C600, s6;
	s6 =	sadd.s32 s29, s2  }
0xd: {  	_ =	strace $0x80000047;
	s14 =	ssub.s32 s7, s30;
	s7 =	sadd.s32 $0x9000, s6  }
0xe: {  	s31 =	sshrl.u32 s9, $0x3;
	s8 =	sadd.s32 $0x12000, s6;
	s9 =	sadd.s32 s11, s12  }
0xf: {  	s12 =	smax.u32 s14, $0x1;
	s13 =	sadd.s32 $0x34600, s13;
	s11 =	sadd.s32 s11, s31  }
0x10: {  	s14 =	simm.s32 $0x400;
	s10 =	sadd.s32 $0x1200, s11;
	s11 =	sadd.s32 $0x2400, s11  }
.LBB2_1:
0x11: {  	[tilespmem:s14], [sflag:$0x2] =	stream.linear.gather [hbm4b:s5+s3], $0x9000, $0x38;
	[tilespmem:$0x1FC00] =	vst v63  }
0x12: {  	_ =	swait.ge [sflag:s15], $0x9000  }
0x13: {  	[sflag:s15] =	ssyncset.done $0x0  }
0x14: {  	[sflag:s15] =	ssyncadd.s32 $0xFFFF7000  }
0x15: {  	[spmem:s6] =	stream.linear.scatter [tilespmem:s14], [sflag:$0x2], $0x9000, $0x38;
	[tilespmem:$0x1FC00] =	vst v63  }
0x16: {  	_ =	swait.ge [sflag:s15], $0x9000  }
0x17: {  	[sflag:s15] =	ssyncset.done $0x0  }
0x18: {  	[sflag:s15] =	ssyncadd.s32 $0xFFFF7000  }
0x19: {  	[spmem:s7] =	stream.linear.scatter [tilespmem:s14], [sflag:$0x2], $0x9000, $0x38;
	[tilespmem:$0x1FC00] =	vst v63  }
0x1a: {  	_ =	swait.ge [sflag:s15], $0x9000  }
0x1b: {  	[sflag:s15] =	ssyncset.done $0x0  }
0x1c: {  	[sflag:s15] =	ssyncadd.s32 $0xFFFF7000  }
0x1d: {  	[spmem:s8] =	stream.linear.scatter [tilespmem:s14], [sflag:$0x2], $0x4800, $0x38;
	[tilespmem:$0x1FC00] =	vst v63  }
0x1e: {  	_ =	swait.ge [sflag:s15], $0x4800  }
0x1f: {  	[sflag:s15] =	ssyncset.done $0x0  }
0x20: {  	[sflag:s15] =	ssyncadd.s32 $0xFFFFB800  }
0x21: {  	s22 =	sadd.s32 $0x0, s13;
	[bflag:$0x0] =	sbarrier.arrive $0xFFFF  }
0x22: {  	[tilespmem:s3], [sflag:$0x2] =	stream.linear.gather [hbm4b:s22+s3], $0x200, $0x38;
	[tilespmem:$0x1FC00] =	vst v63  }
0x23: {  	_ =	swait.ge [sflag:s15], $0x200  }
0x24: {  	[sflag:s15] =	ssyncset.done $0x0  }
0x25: {  	[sflag:s15] =	ssyncadd.s32 $0xFFFFFE00  }
0x26: {  	[tilespmem:s14], [sflag:$0x1] =	stream.indirect.gather [hbm4b:s4+s16], $0x90, s3, s16, $0xb8;
	[tilespmem:$0x1FC00] =	vst v63  }
0x27: {  	_ = 	snop  }
0x28: {  	[tilespmem:s18], [sflag:$0x1] =	stream.indirect.gather [hbm4b:s4+s16], $0x90, s17, s16, $0xb8;
	[tilespmem:$0x1FC00] =	vst v63  }
0x29: {  	_ =	swait.ge [sflag:s19], $0x4800  }
0x2a: {  	[sflag:s19] =	ssyncset.done $0x0  }
0x2b: {  	[sflag:s19] =	ssyncadd.s32 $0xFFFFB800  }
0x2c: {  	[spmem:s2] =	stream.indirect.scatter.add.f32 [tilespmem:s14], [sflag:$0x2], $0x90, s16, s16, $0xb8;
	[tilespmem:$0x1FC00] =	vst v63  }
0x2d: {  	_ =	swait.ge [sflag:s15], $0x4800  }
0x2e: {  	[sflag:s15] =	ssyncset.done $0x0  }
0x2f: {  	[sflag:s15] =	ssyncadd.s32 $0xFFFFB800  }
0x30: {  	_ =	swait.ge [sflag:s19], $0x4800  }
0x31: {  	[sflag:s19] =	ssyncset.done $0x0  }
0x32: {  	[sflag:s19] =	ssyncadd.s32 $0xFFFFB800  }
0x33: {  	[spmem:s2] =	stream.indirect.scatter.add.f32 [tilespmem:s18], [sflag:$0x2], $0x90, s20, s16, $0xb8;
	[tilespmem:$0x1FC00] =	vst v63  }
0x34: {  	_ =	swait.ge [sflag:s15], $0x4800  }
0x35: {  	s23 =	simm.s32 $0x80;
	s22 =	simm.s32 $0x40;
	[sflag:s15] =	ssyncset.done $0x0  }
.LBB2_2:
0x36: {  	s24 =	sadd.s32 s22, s13  }
0x37: {  	[sflag:s15] =	ssyncadd.s32 $0xFFFFB800;
	s22 =	smov.u32 s23;
	s25 =	sadd.s32 $0x40, s23  }
0x38: {  	[tilespmem:s3], [sflag:$0x2] =	stream.linear.gather [hbm4b:s24+s3], $0x200, $0x38;
	[tilespmem:$0x1FC00] =	vst v63  }
0x39: {  	p0 =	sne.s32 s23, $0x1380;
	_ =	swait.ge [sflag:s15], $0x200  }
0x3a: {  	[sflag:s15] =	ssyncset.done $0x0  }
0x3b: {  	[sflag:s15] =	ssyncadd.s32 $0xFFFFFE00  }
0x3c: {  	[tilespmem:s14], [sflag:$0x1] =	stream.indirect.gather [hbm4b:s4+s16], $0x90, s3, s16, $0xb8;
	[tilespmem:$0x1FC00] =	vst v63  }
0x3d: {  	_ = 	snop  }
0x3e: {  	[tilespmem:s18], [sflag:$0x1] =	stream.indirect.gather [hbm4b:s4+s16], $0x90, s17, s16, $0xb8;
	[tilespmem:$0x1FC00] =	vst v63  }
0x3f: {  	_ =	swait.ge [sflag:s19], $0x4800  }
0x40: {  	[sflag:s19] =	ssyncset.done $0x0  }
0x41: {  	[sflag:s19] =	ssyncadd.s32 $0xFFFFB800  }
0x42: {  	[spmem:s2] =	stream.indirect.scatter.add.f32 [tilespmem:s14], [sflag:$0x2], $0x90, s16, s16, $0xb8;
	[tilespmem:$0x1FC00] =	vst v63  }
0x43: {  	_ =	swait.ge [sflag:s15], $0x4800  }
0x44: {  	[sflag:s15] =	ssyncset.done $0x0  }
0x45: {  	[sflag:s15] =	ssyncadd.s32 $0xFFFFB800  }
0x46: {  	_ =	swait.ge [sflag:s19], $0x4800  }
.Ltmp0:
0x47: {  	[sflag:s19] =	ssyncset.done $0x0;
	(pc) =	sbr.rel @p0 .LBB2_2-.Ltmp0, $4  }
0x48: {  	[sflag:s19] =	ssyncadd.s32 $0xFFFFB800  }
0x49: {  	[spmem:s2] =	stream.indirect.scatter.add.f32 [tilespmem:s18], [sflag:$0x2], $0x90, s20, s16, $0xb8;
	[tilespmem:$0x1FC00] =	vst v63  }
0x4a: {  	_ =	swait.ge [sflag:s15], $0x4800  }
0x4b: {  	s23 =	smov.u32 s25;
	[sflag:s15] =	ssyncset.done $0x0  }
0x4c: {  	s22 =	sadd.s32 s22, s13;
	[sflag:s15] =	ssyncadd.s32 $0xFFFFB800  }
0x4d: {  	[tilespmem:s3], [sflag:$0x2] =	stream.linear.gather [hbm4b:s22+s3], $0x200, $0x38;
	[tilespmem:$0x1FC00] =	vst v63  }
0x4e: {  	_ =	swait.ge [sflag:s15], $0x200  }
0x4f: {  	[sflag:s15] =	ssyncset.done $0x0  }
0x50: {  	[sflag:s15] =	ssyncadd.s32 $0xFFFFFE00  }
0x51: {  	[tilespmem:s14], [sflag:$0x1] =	stream.indirect.gather [hbm4b:s4+s16], $0x90, s3, s16, $0xb8;
	[tilespmem:$0x1FC00] =	vst v63  }
0x52: {  	_ = 	snop  }
0x53: {  	[tilespmem:s18], [sflag:$0x1] =	stream.indirect.gather [hbm4b:s4+s16], $0x90, s17, s16, $0xb8;
	[tilespmem:$0x1FC00] =	vst v63  }
0x54: {  	_ =	swait.ge [sflag:s19], $0x4800  }
0x55: {  	[sflag:s19] =	ssyncset.done $0x0  }
0x56: {  	[sflag:s19] =	ssyncadd.s32 $0xFFFFB800  }
0x57: {  	[spmem:s2] =	stream.indirect.scatter.add.f32 [tilespmem:s14], [sflag:$0x2], $0x90, s16, s16, $0xb8;
	[tilespmem:$0x1FC00] =	vst v63  }
0x58: {  	_ =	swait.ge [sflag:s15], $0x4800  }
0x59: {  	[sflag:s15] =	ssyncset.done $0x0  }
0x5a: {  	[sflag:s15] =	ssyncadd.s32 $0xFFFFB800  }
0x5b: {  	_ =	swait.ge [sflag:s19], $0x4800  }
0x5c: {  	[sflag:s19] =	ssyncset.done $0x0  }
0x5d: {  	[sflag:s19] =	ssyncadd.s32 $0xFFFFB800  }
0x5e: {  	[spmem:s2] =	stream.indirect.scatter.add.f32 [tilespmem:s18], [sflag:$0x2], $0x90, s20, s16, $0xb8;
	[tilespmem:$0x1FC00] =	vst v63  }
0x5f: {  	_ =	swait.ge [sflag:s15], $0x4800  }
0x60: {  	[sflag:s15] =	ssyncset.done $0x0  }
0x61: {  	[sflag:s15] =	ssyncadd.s32 $0xFFFFB800  }
0x62: {  	[bflag:$0x0] =	sbarrier.arrive $0xFFFF  }
0x63: {  	[tilespmem:s14], [sflag:$0x2] =	stream.linear.gather [spmem:s6], $0x9000, $0x38;
	[tilespmem:$0x1FC00] =	vst v63  }
0x64: {  	_ =	swait.ge [sflag:s15], $0x9000  }
0x65: {  	[sflag:s15] =	ssyncset.done $0x0  }
0x66: {  	[sflag:s15] =	ssyncadd.s32 $0xFFFF7000  }
0x67: {  	[hbm4b:s9+s3] =	stream.linear.scatter [tilespmem:s14], [sflag:$0x2], $0x9000, $0x38;
	[tilespmem:$0x1FC00] =	vst v63  }
0x68: {  	_ =	swait.ge [sflag:s15], $0x9000  }
0x69: {  	[sflag:s15] =	ssyncset.done $0x0  }
0x6a: {  	[sflag:s15] =	ssyncadd.s32 $0xFFFF7000  }
0x6b: {  	[tilespmem:s14], [sflag:$0x2] =	stream.linear.gather [spmem:s7], $0x9000, $0x38;
	[tilespmem:$0x1FC00] =	vst v63  }
0x6c: {  	_ =	swait.ge [sflag:s15], $0x9000  }
0x6d: {  	[sflag:s15] =	ssyncset.done $0x0  }
0x6e: {  	[sflag:s15] =	ssyncadd.s32 $0xFFFF7000  }
0x6f: {  	[hbm4b:s10+s3] =	stream.linear.scatter [tilespmem:s14], [sflag:$0x2], $0x9000, $0x38;
	[tilespmem:$0x1FC00] =	vst v63  }
0x70: {  	_ =	swait.ge [sflag:s15], $0x9000  }
0x71: {  	[sflag:s15] =	ssyncset.done $0x0  }
0x72: {  	[sflag:s15] =	ssyncadd.s32 $0xFFFF7000  }
0x73: {  	[tilespmem:s14], [sflag:$0x2] =	stream.linear.gather [spmem:s8], $0x4800, $0x38;
	[tilespmem:$0x1FC00] =	vst v63  }
0x74: {  	s21 =	sadd.s32 $0x1, s21;
	_ =	swait.ge [sflag:s15], $0x4800  }
0x75: {  	p0 =	sne.s32 s21, s12;
	[sflag:s15] =	ssyncset.done $0x0  }
.Ltmp1:
0x76: {  	[sflag:s15] =	ssyncadd.s32 $0xFFFFB800;
	(pc) =	sbr.rel @p0 .LBB2_1-.Ltmp1, $4  }
0x77: {  	[hbm4b:s11+s3] =	stream.linear.scatter [tilespmem:s14], [sflag:$0x2], $0x4800, $0x38;
	[tilespmem:$0x1FC00] =	vst v63  }
0x78: {  	_ =	swait.ge [sflag:s15], $0x4800  }
0x79: {  	[sflag:s15] =	ssyncset.done $0x0  }
0x7a: {  	[sflag:s15] =	ssyncadd.s32 $0xFFFFB800  }
0x7b: {  	_ =	sfence.sel $0x180000  }
0x7c: {  	[bflag:$0x0] =	sbarrier.arrive $0xFFFF  }
0x7d: {  	p0 =	sne.s32 s0, $0x0;
	_ =	strace $0x90000047  }
0x7e: {  	s0 =	sadd.s32 @!p0 $0x100000, s1;
	[bflag:$0x2] =	sbarrier.arrive $0xFFFF  }
0x7f: {  	[sflag:s0] =	ssyncadd.tile.s32 @!p0 $0x1;
	_ =	shalt  }
.Lfunc_end2:
_tile_overlayer_lowered:
.L_overlay_start_2:
0x80: {  	(tag) =	ssettag $0x2  }
0x81: {  	s0 =	rddreg [dreg:$0x0];
	s2 =	stileid.u32  }
0x82: {  	s1 =	rddreg [dreg:$0x1];
	p0 =	sne.s32 s2, $0x0  }
0x83: {  	s3 =	rddreg [dreg:$0x2];
	[bflag:$0x3] =	sbarrier.arrive $0xFFFF;
	s2 =	simm.s32 @!p0 $0x1C02  }
0x84: {  	[timem:s3], [sflag:s2] =	dma.local @!p0 [hbm:s0], s1  }
0x85: {  	s0 =	simm.s32 @!p0 $0x2  }
0x86: {  	_ =	swait.ge @!p0 [sflag:s0], s1  }
0x87: {  	s1 =	ssub.s32 @!p0 $0x0, s1;
	[sflag:s0] =	ssyncset.done @!p0 $0x0  }
0x88: {  	[sflag:s0] =	ssyncadd.s32 @!p0 s1  }
0x89: {  	[bflag:$0x3] =	sbarrier.arrive $0xFFFF  }
0x8a: {  	_ =	shalt  }

</sc_bundles>
